<compile_context>
chip_gen: v7x
topology: tpu7x:2x2x1
jax: 0.10.2.dev20260603
libtpu: 0.0.44.dev20260713+nightly
codegen_flags: <defaults>
</compile_context>

<pallas_src>
import functools

import jax
import jax.numpy as jnp
from jax import lax
from jax.experimental import pallas as pl
from jax.experimental.pallas import tpu as pltpu
from jax.experimental.pallas import tpu_sc as plsc

_N = 10000
_E = 320000
_B = 64
_D = 128

_NC = 2
_NS = 16
_L = 16

_K = 80
_EPT = _E // (_NC * _NS)
_NCHUNK = _EPT // _K
_ZCH = _N // _K
_ZITER = (_ZCH + _NS - 1) // _NS

_R = 400
_G = _N // _R


def _sc_mesh():
    return plsc.VectorSubcoreMesh(
        core_axis_name="c", subcore_axis_name="s",
        num_cores=_NC, num_subcores=_NS)


@functools.cache
def _sc_degree_fn():
  return functools.partial(
      pl.kernel,
      out_type=jax.ShapeDtypeStruct((_NC * _N, _D), jnp.float32),
      mesh=_sc_mesh(),
      scratch_types=[
          pltpu.VMEM((_K,), jnp.int32),
          pltpu.VMEM((_K, _D), jnp.float32),
          pltpu.VMEM_SHARED((_N, _D), jnp.float32),
      ],
  )(_sc_degree_body)


def _sc_degree(dst, zeros_l, ones_l):
    return _sc_degree_fn()(dst, zeros_l, ones_l)


def _sc_degree_body(dst_hbm, zeros_hbm, ones_hbm, out_hbm, dstv, rows, acc):
    c = lax.axis_index("c")
    s = lax.axis_index("s")
    tile = c * _NS + s

    pltpu.sync_copy(zeros_hbm, rows)

    def zacc(g, carry):
        cidx = s + g * _NS

        @pl.when(cidx < _ZCH)
        def _():
            pltpu.sync_copy(rows, acc.at[pl.ds(cidx * _K, _K)])

        return carry

    lax.fori_loop(0, _ZITER, zacc, 0)

    pltpu.sync_copy(ones_hbm, rows)
    plsc.subcore_barrier()

    ebase = tile * _EPT

    def step(i, carry):
        pltpu.sync_copy(dst_hbm.at[pl.ds(ebase + i * _K, _K)], dstv)
        pltpu.sync_copy(rows, acc.at[dstv], add=True)
        return carry

    lax.fori_loop(0, _NCHUNK, step, 0)
    plsc.subcore_barrier()

    def flush(g, carry):
        cidx = s + g * _NS

        @pl.when(cidx < _ZCH)
        def _():
            pltpu.sync_copy(acc.at[pl.ds(cidx * _K, _K)], rows)
            pltpu.sync_copy(rows, out_hbm.at[pl.ds(c * _N + cidx * _K, _K)])

        return carry

    lax.fori_loop(0, _ZITER, flush, 0)


@functools.cache
def _sc_scatter_fn():
  return functools.partial(
      pl.kernel,
      out_type=jax.ShapeDtypeStruct((_NC * _N, _D), jnp.float32),
      mesh=_sc_mesh(),
      scratch_types=[
          pltpu.VMEM((_K,), jnp.int32),
          pltpu.VMEM((_K,), jnp.int32),
          pltpu.VMEM((_K, _D), jnp.float32),
          pltpu.VMEM_SHARED((_N, _D), jnp.float32),
          pltpu.SemaphoreType.DMA,
      ],
  )(_sc_scatter_body)


def _sc_scatter(h, src, dst, zeros_d):
    return _sc_scatter_fn()(h, src, dst, zeros_d)


def _sc_scatter_body(h_hbm, src_hbm, dst_hbm, zeros_hbm, out_hbm,
                     srcv, dstv, rows, acc, sem):
    c = lax.axis_index("c")
    s = lax.axis_index("s")
    tile = c * _NS + s

    pltpu.sync_copy(zeros_hbm, rows)

    def zacc(g, carry):
        cidx = s + g * _NS

        @pl.when(cidx < _ZCH)
        def _():
            pltpu.sync_copy(rows, acc.at[pl.ds(cidx * _K, _K)])

        return carry

    lax.fori_loop(0, _ZITER, zacc, 0)
    plsc.subcore_barrier()

    ebase = tile * _EPT

    def step(i, carry):
        pltpu.sync_copy(src_hbm.at[pl.ds(ebase + i * _K, _K)], srcv)
        pltpu.sync_copy(dst_hbm.at[pl.ds(ebase + i * _K, _K)], dstv)
        pltpu.async_copy(h_hbm.at[srcv], rows, sem).wait()
        pltpu.sync_copy(rows, acc.at[dstv], add=True)
        return carry

    lax.fori_loop(0, _NCHUNK, step, 0)
    plsc.subcore_barrier()

    def flush(g, carry):
        cidx = s + g * _NS

        @pl.when(cidx < _ZCH)
        def _():
            pltpu.sync_copy(acc.at[pl.ds(cidx * _K, _K)], rows)
            pltpu.sync_copy(rows, out_hbm.at[pl.ds(c * _N + cidx * _K, _K)])

        return carry

    lax.fori_loop(0, _ZITER, flush, 0)


def _tc_layer1_body(x_ref, d0_ref, d1_ref, w_ref, h1p_ref, dinv_ref):
    deg = d0_ref[...] + d1_ref[...] + 1.0
    dinv = lax.rsqrt(deg)
    h = jnp.dot(x_ref[...], w_ref[...], preferred_element_type=jnp.float32)
    dinv_ref[...] = dinv
    h1p_ref[...] = h * dinv


def _tc_layer1(x, deg0, deg1, W1):
    return pl.pallas_call(
        _tc_layer1_body,
        grid=(_G,),
        in_specs=[
            pl.BlockSpec((_R, _D), lambda i: (i, 0)),
            pl.BlockSpec((_R, _D), lambda i: (i, 0)),
            pl.BlockSpec((_R, _D), lambda i: (i, 0)),
            pl.BlockSpec((_D, _D), lambda i: (0, 0)),
        ],
        out_specs=[
            pl.BlockSpec((_R, _D), lambda i: (i, 0)),
            pl.BlockSpec((_R, _D), lambda i: (i, 0)),
        ],
        out_shape=[
            jax.ShapeDtypeStruct((_N, _D), jnp.float32),
            jax.ShapeDtypeStruct((_N, _D), jnp.float32),
        ],
    )(x, deg0, deg1, W1)


def _tc_layer2_body(s0_ref, s1_ref, h1p_ref, dinv_ref, w_ref, b_ref, h2p_ref):
    dinv = dinv_ref[...]
    z1 = jnp.maximum(
        (s0_ref[...] + s1_ref[...] + h1p_ref[...]) * dinv + b_ref[...], 0.0)
    h2p_ref[...] = jnp.dot(
        z1, w_ref[...], preferred_element_type=jnp.float32) * dinv


def _tc_layer2(s0, s1, h1p, dinv, W2, b1):
    return pl.pallas_call(
        _tc_layer2_body,
        grid=(_G,),
        in_specs=[
            pl.BlockSpec((_R, _D), lambda i: (i, 0)),
            pl.BlockSpec((_R, _D), lambda i: (i, 0)),
            pl.BlockSpec((_R, _D), lambda i: (i, 0)),
            pl.BlockSpec((_R, _D), lambda i: (i, 0)),
            pl.BlockSpec((_D, _D), lambda i: (0, 0)),
            pl.BlockSpec((1, _D), lambda i: (0, 0)),
        ],
        out_specs=pl.BlockSpec((_R, _D), lambda i: (i, 0)),
        out_shape=jax.ShapeDtypeStruct((_N, _D), jnp.float32),
    )(s0, s1, h1p, dinv, W2, b1.reshape(1, _D))


def _tc_pool_body(s0_ref, s1_ref, h2p_ref, dinv_ref, b_ref, batch_ref,
                  wfct_ref, bfc_ref, out_ref, sum_sc, cnt_sc):
    i = pl.program_id(0)
    z2 = jnp.maximum(
        (s0_ref[...] + s1_ref[...] + h2p_ref[...]) * dinv_ref[...]
        + b_ref[...], 0.0)
    gid = lax.broadcasted_iota(jnp.int32, (_R, _B), 1)
    onehot = (batch_ref[...] == gid).astype(jnp.float32)
    sums = lax.dot_general(onehot, z2, (((0,), (0,)), ((), ())),
                           preferred_element_type=jnp.float32)
    cnts = lax.dot_general(onehot, jnp.ones((_R, _D), jnp.float32),
                           (((0,), (0,)), ((), ())),
                           preferred_element_type=jnp.float32)

    @pl.when(i == 0)
    def _():
        sum_sc[...] = jnp.zeros((_B, _D), jnp.float32)
        cnt_sc[...] = jnp.zeros((_B, _D), jnp.float32)

    sum_sc[...] += sums
    cnt_sc[...] += cnts

    @pl.when(i == _G - 1)
    def _():
        pooled = sum_sc[...] / jnp.maximum(cnt_sc[...], 1.0)
        out_ref[...] = jnp.dot(
            pooled, wfct_ref[...], preferred_element_type=jnp.float32
        ) + bfc_ref[...]


def _tc_pool_fc(s0, s1, h2p, dinv, b2, batch, WfcT, bfc):
    return pl.pallas_call(
        _tc_pool_body,
        grid=(_G,),
        in_specs=[
            pl.BlockSpec((_R, _D), lambda i: (i, 0)),
            pl.BlockSpec((_R, _D), lambda i: (i, 0)),
            pl.BlockSpec((_R, _D), lambda i: (i, 0)),
            pl.BlockSpec((_R, _D), lambda i: (i, 0)),
            pl.BlockSpec((1, _D), lambda i: (0, 0)),
            pl.BlockSpec((_R, 1), lambda i: (i, 0)),
            pl.BlockSpec((_D, _D), lambda i: (0, 0)),
            pl.BlockSpec((1, _D), lambda i: (0, 0)),
        ],
        out_specs=pl.BlockSpec((_B, _D), lambda i: (0, 0)),
        out_shape=jax.ShapeDtypeStruct((_B, _D), jnp.float32),
        scratch_shapes=[
            pltpu.VMEM((_B, _D), jnp.float32),
            pltpu.VMEM((_B, _D), jnp.float32),
        ],
    )(s0, s1, h2p, dinv, b2.reshape(1, _D), batch.reshape(_N, 1),
      WfcT, bfc.reshape(1, _D))


def kernel(x, edge_index, batch, W1, b1, W2, b2, Wfc, bfc):
    src = edge_index[0]
    dst = edge_index[1]

    zeros_d = jnp.zeros((_K, _D), jnp.float32)
    ones_d = jnp.ones((_K, _D), jnp.float32)

    degp = _sc_degree(dst, zeros_d, ones_d)
    deg0, deg1 = degp[:_N], degp[_N:]

    h1p, dinv = _tc_layer1(x, deg0, deg1, W1)

    s1 = _sc_scatter(h1p, src, dst, zeros_d)
    h2p = _tc_layer2(s1[:_N], s1[_N:], h1p, dinv, W2, b1)

    s2 = _sc_scatter(h2p, src, dst, zeros_d)
    return _tc_pool_fc(s2[:_N], s2[_N:], h2p, dinv, b2, batch, Wfc.T, bfc)

# --- scband reference (transcript-rebuilt; emitter-appended) ---
"""Pipeline reference for scband-sub-tile-gnn-51049981280320 (READ-ONLY COPY).

The authoritative reference and input builder live on the scoring server;
editing this copy changes nothing except your own understanding.
"""

import jax, jax.numpy as jnp
import numpy as np

N = 10000
E = 320000
B = 64
D_IN = 128
D_HID = 128
D_OUT = 128


def gcn_conv(x, edge_index, W, b, num_nodes):
    # PyG GCNConv: h = x @ W; add self loops; symmetric normalization; scatter-add; + bias
    src = edge_index[0]
    dst = edge_index[1]
    loop = jnp.arange(num_nodes, dtype=edge_index.dtype)
    src = jnp.concatenate([src, loop])
    dst = jnp.concatenate([dst, loop])
    deg = jnp.zeros((num_nodes,), dtype=x.dtype).at[dst].add(1.0)
    dinv = jnp.where(deg > 0, jax.lax.rsqrt(deg), 0.0)
    norm = dinv[src] * dinv[dst]
    h = x @ W
    msg = h[src] * norm[:, None]
    out = jnp.zeros((num_nodes, W.shape[1]), dtype=x.dtype).at[dst].add(msg)
    return out + b


def global_mean_pool(x, batch, num_graphs):
    sums = jax.ops.segment_sum(x, batch, num_segments=num_graphs)
    cnt = jax.ops.segment_sum(jnp.ones((x.shape[0],), dtype=x.dtype), batch, num_segments=num_graphs)
    return sums / jnp.maximum(cnt, 1.0)[:, None]


def setup_inputs(seed: int = 0) -> dict:
    key = jax.random.key(seed)
    ks = jax.random.split(key, 10)
    x = jax.random.normal(ks[0], (N, D_IN), dtype=jnp.float32)
    edge_index = jax.random.randint(ks[1], (2, E), 0, N, dtype=jnp.int32)
    batch = jnp.sort(jax.random.randint(ks[2], (N,), 0, B, dtype=jnp.int32))
    W1 = jax.random.normal(ks[3], (D_IN, D_HID), dtype=jnp.float32) * 0.05
    b1 = jnp.zeros((D_HID,), dtype=jnp.float32)
    W2 = jax.random.normal(ks[4], (D_HID, D_HID), dtype=jnp.float32) * 0.05
    b2 = jnp.zeros((D_HID,), dtype=jnp.float32)
    Wfc = jax.random.normal(ks[5], (D_OUT, D_HID), dtype=jnp.float32) * 0.05
    bfc = jnp.zeros((D_OUT,), dtype=jnp.float32)
    return {"x": x, "edge_index": edge_index, "batch": batch,
            "W1": W1, "b1": b1, "W2": W2, "b2": b2, "Wfc": Wfc, "bfc": bfc}


def reference(x, edge_index, batch, W1, b1, W2, b2, Wfc, bfc):
    h = jax.nn.relu(gcn_conv(x, edge_index, W1, b1, N))
    h = jax.nn.relu(gcn_conv(h, edge_index, W2, b2, N))
    pooled = global_mean_pool(h, batch, B)
    tile_emb = pooled @ Wfc.T + bfc
    return tile_emb

if __name__ == "__main__":
    import jax
    _d = setup_inputs()
    print(jax.jit(kernel)(*tuple(_d.values())))

</pallas_src>

<mosaic_0001>
#map = affine_map<(d0, d1) -> (0, 0)>
#map1 = affine_map<(d0, d1) -> (0)>
module attributes {stable_mosaic.version = 14 : i64} {
  func.func @_sc_scatter_body(%arg0: i32, %arg1: i32, %arg2: memref<10000x128xf32, #tpu.memory_space<hbm>>, %arg3: memref<320000xi32, #tpu.memory_space<hbm>>, %arg4: memref<320000xi32, #tpu.memory_space<hbm>>, %arg5: memref<80x128xf32, #tpu.memory_space<hbm>>, %arg6: memref<20000x128xf32, #tpu.memory_space<hbm>>, %arg7: memref<80xi32, #tpu.memory_space<vmem>>, %arg8: memref<80xi32, #tpu.memory_space<vmem>>, %arg9: memref<80x128xf32, #tpu.memory_space<vmem>>, %arg10: memref<10000x128xf32, #tpu.memory_space<vmem_shared>>, %arg11: memref<!tpu.dma_semaphore, #tpu.memory_space<semaphore_mem>>) attributes {dimension_semantics = [#tpu.dimension_semantics<core_parallel>, #tpu.dimension_semantics<subcore_parallel>], iteration_bounds = array<i64: 2, 16>, scalar_prefetch = 0 : i64, scratch_operands = 5 : i64, tpu.core_type = #tpu.core_type<sc_vector_subcore>, window_params = [{transform_indices = #map}, {transform_indices = #map1}, {transform_indices = #map1}, {transform_indices = #map}, {transform_indices = #map}]} {
    %mul3A = arith.constant 16 : i32
    %mul3A_0 = arith.muli %arg0, %mul3A : i32
    %add3A = arith.addi %mul3A_0, %arg1 : i32
    "tpu.region"() ({
      %run_scoped3A = tpu.sem_alloc : memref<!tpu.dma_semaphore, #tpu.memory_space<semaphore_mem>>
      tpu.enqueue_dma source(%arg5 : memref<80x128xf32, #tpu.memory_space<hbm>>) target(%arg9 : memref<80x128xf32, #tpu.memory_space<vmem>>) target_semaphore(%run_scoped3A : memref<!tpu.dma_semaphore, #tpu.memory_space<semaphore_mem>>)
      tpu.wait_dma2 semaphore(%run_scoped3A : memref<!tpu.dma_semaphore, #tpu.memory_space<semaphore_mem>>) src(%arg5 : memref<80x128xf32, #tpu.memory_space<hbm>>) dst(%arg9 : memref<80x128xf32, #tpu.memory_space<vmem>>)
      tpu.yield
    }) : () -> ()
    %scan3A = arith.constant 0 : i32
    %scan3A_1 = arith.constant 0 : i32
    %scan3A_2 = arith.constant 8 : i32
    %scan3A_3 = arith.addi %scan3A_1, %scan3A_2 : i32
    %scan3A_4 = arith.constant 1 : i32
    scf.for %scan3A_21 = %scan3A_1 to %scan3A_3 step %scan3A_4  : i32 {
      %mul3A_22 = arith.constant 16 : i32
      %mul3A_23 = arith.muli %scan3A_21, %mul3A_22 : i32
      %add3A_24 = arith.addi %arg1, %mul3A_23 : i32
      %lt3A = arith.constant 125 : i32
      %lt3A_25 = arith.cmpi slt, %add3A_24, %lt3A : i32
      %convert_element_type3A = arith.extui %lt3A_25 : i1 to i32
      %cond3A = arith.constant 0 : i32
      %cond3A_26 = arith.cmpi ne, %convert_element_type3A, %cond3A : i32
      scf.if %cond3A_26 {
        %mul3A_27 = arith.constant 80 : i32
        %mul3A_28 = arith.muli %add3A_24, %mul3A_27 : i32
        "tpu.region"() ({
          %run_scoped3A = tpu.sem_alloc : memref<!tpu.dma_semaphore, #tpu.memory_space<semaphore_mem>>
          %dma_start3A = arith.constant 0 : i32
          %dma_start3A_29 = tpu.memref_slice %arg10[%mul3A_28, %dma_start3A] : memref<10000x128xf32, #tpu.memory_space<vmem_shared>> -> memref<80x128xf32, #tpu.memory_space<vmem_shared>>
          %dma_start3A_30 = arith.constant 0 : i32
          %dma_start3A_31 = tpu.memref_slice %arg10[%mul3A_28, %dma_start3A_30] : memref<10000x128xf32, #tpu.memory_space<vmem_shared>> -> memref<80x128xf32, #tpu.memory_space<vmem_shared>>
          tpu.enqueue_dma source(%arg9 : memref<80x128xf32, #tpu.memory_space<vmem>>) target(%dma_start3A_31 : memref<80x128xf32, #tpu.memory_space<vmem_shared>>) target_semaphore(%run_scoped3A : memref<!tpu.dma_semaphore, #tpu.memory_space<semaphore_mem>>)
          %dma_wait3A = arith.constant 0 : i32
          %dma_wait3A_32 = tpu.memref_slice %arg10[%mul3A_28, %dma_wait3A] : memref<10000x128xf32, #tpu.memory_space<vmem_shared>> -> memref<80x128xf32, #tpu.memory_space<vmem_shared>>
          %dma_wait3A_33 = arith.constant 0 : i32
          %dma_wait3A_34 = tpu.memref_slice %arg10[%mul3A_28, %dma_wait3A_33] : memref<10000x128xf32, #tpu.memory_space<vmem_shared>> -> memref<80x128xf32, #tpu.memory_space<vmem_shared>>
          tpu.wait_dma2 semaphore(%run_scoped3A : memref<!tpu.dma_semaphore, #tpu.memory_space<semaphore_mem>>) src(%arg9 : memref<80x128xf32, #tpu.memory_space<vmem>>) dst(%dma_wait3A_34 : memref<80x128xf32, #tpu.memory_space<vmem_shared>>)
          tpu.yield
        }) : () -> ()
      } else {
      }
    }
    %scan3A_5 = arith.constant 8 : i32
    %barrier3A = arith.constant 0 : index
    tpu.barrier barrier_id(%barrier3A)
    %mul3A_6 = arith.constant 10000 : i32
    %mul3A_7 = arith.muli %add3A, %mul3A_6 : i32
    %scan3A_8 = arith.constant 0 : i32
    %scan3A_9 = arith.constant 0 : i32
    %scan3A_10 = arith.constant 125 : i32
    %scan3A_11 = arith.addi %scan3A_9, %scan3A_10 : i32
    %scan3A_12 = arith.constant 1 : i32
    scf.for %scan3A_21 = %scan3A_9 to %scan3A_11 step %scan3A_12  : i32 {
      %mul3A_22 = arith.constant 80 : i32
      %mul3A_23 = arith.muli %scan3A_21, %mul3A_22 : i32
      %add3A_24 = arith.addi %mul3A_7, %mul3A_23 : i32
      "tpu.region"() ({
        %run_scoped3A = tpu.sem_alloc : memref<!tpu.dma_semaphore, #tpu.memory_space<semaphore_mem>>
        %dma_start3A_32 = tpu.memref_slice %arg3[%add3A_24] : memref<320000xi32, #tpu.memory_space<hbm>> -> memref<80xi32, #tpu.memory_space<hbm>>
        %dma_start3A_33 = tpu.memref_slice %arg3[%add3A_24] : memref<320000xi32, #tpu.memory_space<hbm>> -> memref<80xi32, #tpu.memory_space<hbm>>
        tpu.enqueue_dma source(%dma_start3A_33 : memref<80xi32, #tpu.memory_space<hbm>>) target(%arg7 : memref<80xi32, #tpu.memory_space<vmem>>) target_semaphore(%run_scoped3A : memref<!tpu.dma_semaphore, #tpu.memory_space<semaphore_mem>>)
        %dma_wait3A_34 = tpu.memref_slice %arg3[%add3A_24] : memref<320000xi32, #tpu.memory_space<hbm>> -> memref<80xi32, #tpu.memory_space<hbm>>
        %dma_wait3A_35 = tpu.memref_slice %arg3[%add3A_24] : memref<320000xi32, #tpu.memory_space<hbm>> -> memref<80xi32, #tpu.memory_space<hbm>>
        tpu.wait_dma2 semaphore(%run_scoped3A : memref<!tpu.dma_semaphore, #tpu.memory_space<semaphore_mem>>) src(%dma_wait3A_35 : memref<80xi32, #tpu.memory_space<hbm>>) dst(%arg7 : memref<80xi32, #tpu.memory_space<vmem>>)
        tpu.yield
      }) : () -> ()
      %mul3A_25 = arith.constant 80 : i32
      %mul3A_26 = arith.muli %scan3A_21, %mul3A_25 : i32
      %add3A_27 = arith.addi %mul3A_7, %mul3A_26 : i32
      "tpu.region"() ({
        %run_scoped3A = tpu.sem_alloc : memref<!tpu.dma_semaphore, #tpu.memory_space<semaphore_mem>>
        %dma_start3A_32 = tpu.memref_slice %arg4[%add3A_27] : memref<320000xi32, #tpu.memory_space<hbm>> -> memref<80xi32, #tpu.memory_space<hbm>>
        %dma_start3A_33 = tpu.memref_slice %arg4[%add3A_27] : memref<320000xi32, #tpu.memory_space<hbm>> -> memref<80xi32, #tpu.memory_space<hbm>>
        tpu.enqueue_dma source(%dma_start3A_33 : memref<80xi32, #tpu.memory_space<hbm>>) target(%arg8 : memref<80xi32, #tpu.memory_space<vmem>>) target_semaphore(%run_scoped3A : memref<!tpu.dma_semaphore, #tpu.memory_space<semaphore_mem>>)
        %dma_wait3A_34 = tpu.memref_slice %arg4[%add3A_27] : memref<320000xi32, #tpu.memory_space<hbm>> -> memref<80xi32, #tpu.memory_space<hbm>>
        %dma_wait3A_35 = tpu.memref_slice %arg4[%add3A_27] : memref<320000xi32, #tpu.memory_space<hbm>> -> memref<80xi32, #tpu.memory_space<hbm>>
        tpu.wait_dma2 semaphore(%run_scoped3A : memref<!tpu.dma_semaphore, #tpu.memory_space<semaphore_mem>>) src(%dma_wait3A_35 : memref<80xi32, #tpu.memory_space<hbm>>) dst(%arg8 : memref<80xi32, #tpu.memory_space<vmem>>)
        tpu.yield
      }) : () -> ()
      %dma_start3A = arith.constant 0 : i32
      %dma_start3A_28 = arith.constant 0 : i32
      %dma_start3A_29 = tpu.memref_slice %arg2[%dma_start3A, %dma_start3A_28] : memref<10000x128xf32, #tpu.memory_space<hbm>> -> memref<10000x128xf32, #tpu.memory_space<hbm>>
      tpu.enqueue_indirect_dma source(%dma_start3A_29 : memref<10000x128xf32, #tpu.memory_space<hbm>>) target(%arg9 : memref<80x128xf32, #tpu.memory_space<vmem>>) offsets(%arg7 : memref<80xi32, #tpu.memory_space<vmem>>) semaphore(%arg11 : memref<!tpu.dma_semaphore, #tpu.memory_space<semaphore_mem>>)
      %dma_wait3A = arith.constant 0 : i32
      %dma_wait3A_30 = arith.constant 0 : i32
      %dma_wait3A_31 = tpu.memref_slice %arg2[%dma_wait3A, %dma_wait3A_30] : memref<10000x128xf32, #tpu.memory_space<hbm>> -> memref<10000x128xf32, #tpu.memory_space<hbm>>
      tpu.wait_indirect_dma semaphore(%arg11 : memref<!tpu.dma_semaphore, #tpu.memory_space<semaphore_mem>>) src(%dma_wait3A_31 : memref<10000x128xf32, #tpu.memory_space<hbm>>) dst(%arg9 : memref<80x128xf32, #tpu.memory_space<vmem>>)
      "tpu.region"() ({
        %run_scoped3A = tpu.sem_alloc : memref<!tpu.dma_semaphore, #tpu.memory_space<semaphore_mem>>
        %dma_start3A_32 = arith.constant 0 : i32
        %dma_start3A_33 = arith.constant 0 : i32
        %dma_start3A_34 = tpu.memref_slice %arg10[%dma_start3A_32, %dma_start3A_33] : memref<10000x128xf32, #tpu.memory_space<vmem_shared>> -> memref<10000x128xf32, #tpu.memory_space<vmem_shared>>
        tpu.enqueue_indirect_dma source(%arg9 : memref<80x128xf32, #tpu.memory_space<vmem>>) target(%dma_start3A_34 : memref<10000x128xf32, #tpu.memory_space<vmem_shared>>) offsets(%arg8 : memref<80xi32, #tpu.memory_space<vmem>>) semaphore(%run_scoped3A : memref<!tpu.dma_semaphore, #tpu.memory_space<semaphore_mem>>) {add = true}
        %dma_wait3A_35 = arith.constant 0 : i32
        %dma_wait3A_36 = arith.constant 0 : i32
        %dma_wait3A_37 = tpu.memref_slice %arg10[%dma_wait3A_35, %dma_wait3A_36] : memref<10000x128xf32, #tpu.memory_space<vmem_shared>> -> memref<10000x128xf32, #tpu.memory_space<vmem_shared>>
        tpu.wait_indirect_dma semaphore(%run_scoped3A : memref<!tpu.dma_semaphore, #tpu.memory_space<semaphore_mem>>) src(%arg9 : memref<80x128xf32, #tpu.memory_space<vmem>>) dst(%dma_wait3A_37 : memref<10000x128xf32, #tpu.memory_space<vmem_shared>>)
        tpu.yield
      }) : () -> ()
    }
    %scan3A_13 = arith.constant 125 : i32
    %barrier3A_14 = arith.constant 0 : index
    tpu.barrier barrier_id(%barrier3A_14)
    %scan3A_15 = arith.constant 0 : i32
    %scan3A_16 = arith.constant 0 : i32
    %scan3A_17 = arith.constant 8 : i32
    %scan3A_18 = arith.addi %scan3A_16, %scan3A_17 : i32
    %scan3A_19 = arith.constant 1 : i32
    scf.for %scan3A_21 = %scan3A_16 to %scan3A_18 step %scan3A_19  : i32 {
      %mul3A_22 = arith.constant 16 : i32
      %mul3A_23 = arith.muli %scan3A_21, %mul3A_22 : i32
      %add3A_24 = arith.addi %arg1, %mul3A_23 : i32
      %lt3A = arith.constant 125 : i32
      %lt3A_25 = arith.cmpi slt, %add3A_24, %lt3A : i32
      %convert_element_type3A = arith.extui %lt3A_25 : i1 to i32
      %cond3A = arith.constant 0 : i32
      %cond3A_26 = arith.cmpi ne, %convert_element_type3A, %cond3A : i32
      scf.if %cond3A_26 {
        %mul3A_27 = arith.constant 80 : i32
        %mul3A_28 = arith.muli %add3A_24, %mul3A_27 : i32
        "tpu.region"() ({
          %run_scoped3A = tpu.sem_alloc : memref<!tpu.dma_semaphore, #tpu.memory_space<semaphore_mem>>
          %dma_start3A = arith.constant 0 : i32
          %dma_start3A_34 = tpu.memref_slice %arg10[%mul3A_28, %dma_start3A] : memref<10000x128xf32, #tpu.memory_space<vmem_shared>> -> memref<80x128xf32, #tpu.memory_space<vmem_shared>>
          %dma_start3A_35 = arith.constant 0 : i32
          %dma_start3A_36 = tpu.memref_slice %arg10[%mul3A_28, %dma_start3A_35] : memref<10000x128xf32, #tpu.memory_space<vmem_shared>> -> memref<80x128xf32, #tpu.memory_space<vmem_shared>>
          tpu.enqueue_dma source(%dma_start3A_36 : memref<80x128xf32, #tpu.memory_space<vmem_shared>>) target(%arg9 : memref<80x128xf32, #tpu.memory_space<vmem>>) target_semaphore(%run_scoped3A : memref<!tpu.dma_semaphore, #tpu.memory_space<semaphore_mem>>)
          %dma_wait3A = arith.constant 0 : i32
          %dma_wait3A_37 = tpu.memref_slice %arg10[%mul3A_28, %dma_wait3A] : memref<10000x128xf32, #tpu.memory_space<vmem_shared>> -> memref<80x128xf32, #tpu.memory_space<vmem_shared>>
          %dma_wait3A_38 = arith.constant 0 : i32
          %dma_wait3A_39 = tpu.memref_slice %arg10[%mul3A_28, %dma_wait3A_38] : memref<10000x128xf32, #tpu.memory_space<vmem_shared>> -> memref<80x128xf32, #tpu.memory_space<vmem_shared>>
          tpu.wait_dma2 semaphore(%run_scoped3A : memref<!tpu.dma_semaphore, #tpu.memory_space<semaphore_mem>>) src(%dma_wait3A_39 : memref<80x128xf32, #tpu.memory_space<vmem_shared>>) dst(%arg9 : memref<80x128xf32, #tpu.memory_space<vmem>>)
          tpu.yield
        }) : () -> ()
        %mul3A_29 = arith.constant 10000 : i32
        %mul3A_30 = arith.muli %arg0, %mul3A_29 : i32
        %mul3A_31 = arith.constant 80 : i32
        %mul3A_32 = arith.muli %add3A_24, %mul3A_31 : i32
        %add3A_33 = arith.addi %mul3A_30, %mul3A_32 : i32
        "tpu.region"() ({
          %run_scoped3A = tpu.sem_alloc : memref<!tpu.dma_semaphore, #tpu.memory_space<semaphore_mem>>
          %dma_start3A = arith.constant 0 : i32
          %dma_start3A_34 = tpu.memref_slice %arg6[%add3A_33, %dma_start3A] : memref<20000x128xf32, #tpu.memory_space<hbm>> -> memref<80x128xf32, #tpu.memory_space<hbm>>
          %dma_start3A_35 = arith.constant 0 : i32
          %dma_start3A_36 = tpu.memref_slice %arg6[%add3A_33, %dma_start3A_35] : memref<20000x128xf32, #tpu.memory_space<hbm>> -> memref<80x128xf32, #tpu.memory_space<hbm>>
          tpu.enqueue_dma source(%arg9 : memref<80x128xf32, #tpu.memory_space<vmem>>) target(%dma_start3A_36 : memref<80x128xf32, #tpu.memory_space<hbm>>) target_semaphore(%run_scoped3A : memref<!tpu.dma_semaphore, #tpu.memory_space<semaphore_mem>>)
          %dma_wait3A = arith.constant 0 : i32
          %dma_wait3A_37 = tpu.memref_slice %arg6[%add3A_33, %dma_wait3A] : memref<20000x128xf32, #tpu.memory_space<hbm>> -> memref<80x128xf32, #tpu.memory_space<hbm>>
          %dma_wait3A_38 = arith.constant 0 : i32
          %dma_wait3A_39 = tpu.memref_slice %arg6[%add3A_33, %dma_wait3A_38] : memref<20000x128xf32, #tpu.memory_space<hbm>> -> memref<80x128xf32, #tpu.memory_space<hbm>>
          tpu.wait_dma2 semaphore(%run_scoped3A : memref<!tpu.dma_semaphore, #tpu.memory_space<semaphore_mem>>) src(%arg9 : memref<80x128xf32, #tpu.memory_space<vmem>>) dst(%dma_wait3A_39 : memref<80x128xf32, #tpu.memory_space<hbm>>)
          tpu.yield
        }) : () -> ()
      } else {
      }
    }
    %scan3A_20 = arith.constant 8 : i32
    return
  }
}

#map = affine_map<(d0, d1) -> (0)>
#map1 = affine_map<(d0, d1) -> (0, 0)>
module attributes {stable_mosaic.version = 14 : i64} {
  func.func @_sc_degree_body(%arg0: i32, %arg1: i32, %arg2: memref<320000xi32, #tpu.memory_space<hbm>>, %arg3: memref<80x128xf32, #tpu.memory_space<hbm>>, %arg4: memref<80x128xf32, #tpu.memory_space<hbm>>, %arg5: memref<20000x128xf32, #tpu.memory_space<hbm>>, %arg6: memref<80xi32, #tpu.memory_space<vmem>>, %arg7: memref<80x128xf32, #tpu.memory_space<vmem>>, %arg8: memref<10000x128xf32, #tpu.memory_space<vmem_shared>>) attributes {dimension_semantics = [#tpu.dimension_semantics<core_parallel>, #tpu.dimension_semantics<subcore_parallel>], iteration_bounds = array<i64: 2, 16>, scalar_prefetch = 0 : i64, scratch_operands = 3 : i64, tpu.core_type = #tpu.core_type<sc_vector_subcore>, window_params = [{transform_indices = #map}, {transform_indices = #map1}, {transform_indices = #map1}, {transform_indices = #map1}]} {
    %mul3A = arith.constant 16 : i32
    %mul3A_0 = arith.muli %arg0, %mul3A : i32
    %add3A = arith.addi %mul3A_0, %arg1 : i32
    "tpu.region"() ({
      %run_scoped3A = tpu.sem_alloc : memref<!tpu.dma_semaphore, #tpu.memory_space<semaphore_mem>>
      tpu.enqueue_dma source(%arg3 : memref<80x128xf32, #tpu.memory_space<hbm>>) target(%arg7 : memref<80x128xf32, #tpu.memory_space<vmem>>) target_semaphore(%run_scoped3A : memref<!tpu.dma_semaphore, #tpu.memory_space<semaphore_mem>>)
      tpu.wait_dma2 semaphore(%run_scoped3A : memref<!tpu.dma_semaphore, #tpu.memory_space<semaphore_mem>>) src(%arg3 : memref<80x128xf32, #tpu.memory_space<hbm>>) dst(%arg7 : memref<80x128xf32, #tpu.memory_space<vmem>>)
      tpu.yield
    }) : () -> ()
    %scan3A = arith.constant 0 : i32
    %scan3A_1 = arith.constant 0 : i32
    %scan3A_2 = arith.constant 8 : i32
    %scan3A_3 = arith.addi %scan3A_1, %scan3A_2 : i32
    %scan3A_4 = arith.constant 1 : i32
    scf.for %scan3A_21 = %scan3A_1 to %scan3A_3 step %scan3A_4  : i32 {
      %mul3A_22 = arith.constant 16 : i32
      %mul3A_23 = arith.muli %scan3A_21, %mul3A_22 : i32
      %add3A_24 = arith.addi %arg1, %mul3A_23 : i32
      %lt3A = arith.constant 125 : i32
      %lt3A_25 = arith.cmpi slt, %add3A_24, %lt3A : i32
      %convert_element_type3A = arith.extui %lt3A_25 : i1 to i32
      %cond3A = arith.constant 0 : i32
      %cond3A_26 = arith.cmpi ne, %convert_element_type3A, %cond3A : i32
      scf.if %cond3A_26 {
        %mul3A_27 = arith.constant 80 : i32
        %mul3A_28 = arith.muli %add3A_24, %mul3A_27 : i32
        "tpu.region"() ({
          %run_scoped3A = tpu.sem_alloc : memref<!tpu.dma_semaphore, #tpu.memory_space<semaphore_mem>>
          %dma_start3A = arith.constant 0 : i32
          %dma_start3A_29 = tpu.memref_slice %arg8[%mul3A_28, %dma_start3A] : memref<10000x128xf32, #tpu.memory_space<vmem_shared>> -> memref<80x128xf32, #tpu.memory_space<vmem_shared>>
          %dma_start3A_30 = arith.constant 0 : i32
          %dma_start3A_31 = tpu.memref_slice %arg8[%mul3A_28, %dma_start3A_30] : memref<10000x128xf32, #tpu.memory_space<vmem_shared>> -> memref<80x128xf32, #tpu.memory_space<vmem_shared>>
          tpu.enqueue_dma source(%arg7 : memref<80x128xf32, #tpu.memory_space<vmem>>) target(%dma_start3A_31 : memref<80x128xf32, #tpu.memory_space<vmem_shared>>) target_semaphore(%run_scoped3A : memref<!tpu.dma_semaphore, #tpu.memory_space<semaphore_mem>>)
          %dma_wait3A = arith.constant 0 : i32
          %dma_wait3A_32 = tpu.memref_slice %arg8[%mul3A_28, %dma_wait3A] : memref<10000x128xf32, #tpu.memory_space<vmem_shared>> -> memref<80x128xf32, #tpu.memory_space<vmem_shared>>
          %dma_wait3A_33 = arith.constant 0 : i32
          %dma_wait3A_34 = tpu.memref_slice %arg8[%mul3A_28, %dma_wait3A_33] : memref<10000x128xf32, #tpu.memory_space<vmem_shared>> -> memref<80x128xf32, #tpu.memory_space<vmem_shared>>
          tpu.wait_dma2 semaphore(%run_scoped3A : memref<!tpu.dma_semaphore, #tpu.memory_space<semaphore_mem>>) src(%arg7 : memref<80x128xf32, #tpu.memory_space<vmem>>) dst(%dma_wait3A_34 : memref<80x128xf32, #tpu.memory_space<vmem_shared>>)
          tpu.yield
        }) : () -> ()
      } else {
      }
    }
    %scan3A_5 = arith.constant 8 : i32
    "tpu.region"() ({
      %run_scoped3A = tpu.sem_alloc : memref<!tpu.dma_semaphore, #tpu.memory_space<semaphore_mem>>
      tpu.enqueue_dma source(%arg4 : memref<80x128xf32, #tpu.memory_space<hbm>>) target(%arg7 : memref<80x128xf32, #tpu.memory_space<vmem>>) target_semaphore(%run_scoped3A : memref<!tpu.dma_semaphore, #tpu.memory_space<semaphore_mem>>)
      tpu.wait_dma2 semaphore(%run_scoped3A : memref<!tpu.dma_semaphore, #tpu.memory_space<semaphore_mem>>) src(%arg4 : memref<80x128xf32, #tpu.memory_space<hbm>>) dst(%arg7 : memref<80x128xf32, #tpu.memory_space<vmem>>)
      tpu.yield
    }) : () -> ()
    %barrier3A = arith.constant 0 : index
    tpu.barrier barrier_id(%barrier3A)
    %mul3A_6 = arith.constant 10000 : i32
    %mul3A_7 = arith.muli %add3A, %mul3A_6 : i32
    %scan3A_8 = arith.constant 0 : i32
    %scan3A_9 = arith.constant 0 : i32
    %scan3A_10 = arith.constant 125 : i32
    %scan3A_11 = arith.addi %scan3A_9, %scan3A_10 : i32
    %scan3A_12 = arith.constant 1 : i32
    scf.for %scan3A_21 = %scan3A_9 to %scan3A_11 step %scan3A_12  : i32 {
      %mul3A_22 = arith.constant 80 : i32
      %mul3A_23 = arith.muli %scan3A_21, %mul3A_22 : i32
      %add3A_24 = arith.addi %mul3A_7, %mul3A_23 : i32
      "tpu.region"() ({
        %run_scoped3A = tpu.sem_alloc : memref<!tpu.dma_semaphore, #tpu.memory_space<semaphore_mem>>
        %dma_start3A = tpu.memref_slice %arg2[%add3A_24] : memref<320000xi32, #tpu.memory_space<hbm>> -> memref<80xi32, #tpu.memory_space<hbm>>
        %dma_start3A_25 = tpu.memref_slice %arg2[%add3A_24] : memref<320000xi32, #tpu.memory_space<hbm>> -> memref<80xi32, #tpu.memory_space<hbm>>
        tpu.enqueue_dma source(%dma_start3A_25 : memref<80xi32, #tpu.memory_space<hbm>>) target(%arg6 : memref<80xi32, #tpu.memory_space<vmem>>) target_semaphore(%run_scoped3A : memref<!tpu.dma_semaphore, #tpu.memory_space<semaphore_mem>>)
        %dma_wait3A = tpu.memref_slice %arg2[%add3A_24] : memref<320000xi32, #tpu.memory_space<hbm>> -> memref<80xi32, #tpu.memory_space<hbm>>
        %dma_wait3A_26 = tpu.memref_slice %arg2[%add3A_24] : memref<320000xi32, #tpu.memory_space<hbm>> -> memref<80xi32, #tpu.memory_space<hbm>>
        tpu.wait_dma2 semaphore(%run_scoped3A : memref<!tpu.dma_semaphore, #tpu.memory_space<semaphore_mem>>) src(%dma_wait3A_26 : memref<80xi32, #tpu.memory_space<hbm>>) dst(%arg6 : memref<80xi32, #tpu.memory_space<vmem>>)
        tpu.yield
      }) : () -> ()
      "tpu.region"() ({
        %run_scoped3A = tpu.sem_alloc : memref<!tpu.dma_semaphore, #tpu.memory_space<semaphore_mem>>
        %dma_start3A = arith.constant 0 : i32
        %dma_start3A_25 = arith.constant 0 : i32
        %dma_start3A_26 = tpu.memref_slice %arg8[%dma_start3A, %dma_start3A_25] : memref<10000x128xf32, #tpu.memory_space<vmem_shared>> -> memref<10000x128xf32, #tpu.memory_space<vmem_shared>>
        tpu.enqueue_indirect_dma source(%arg7 : memref<80x128xf32, #tpu.memory_space<vmem>>) target(%dma_start3A_26 : memref<10000x128xf32, #tpu.memory_space<vmem_shared>>) offsets(%arg6 : memref<80xi32, #tpu.memory_space<vmem>>) semaphore(%run_scoped3A : memref<!tpu.dma_semaphore, #tpu.memory_space<semaphore_mem>>) {add = true}
        %dma_wait3A = arith.constant 0 : i32
        %dma_wait3A_27 = arith.constant 0 : i32
        %dma_wait3A_28 = tpu.memref_slice %arg8[%dma_wait3A, %dma_wait3A_27] : memref<10000x128xf32, #tpu.memory_space<vmem_shared>> -> memref<10000x128xf32, #tpu.memory_space<vmem_shared>>
        tpu.wait_indirect_dma semaphore(%run_scoped3A : memref<!tpu.dma_semaphore, #tpu.memory_space<semaphore_mem>>) src(%arg7 : memref<80x128xf32, #tpu.memory_space<vmem>>) dst(%dma_wait3A_28 : memref<10000x128xf32, #tpu.memory_space<vmem_shared>>)
        tpu.yield
      }) : () -> ()
    }
    %scan3A_13 = arith.constant 125 : i32
    %barrier3A_14 = arith.constant 0 : index
    tpu.barrier barrier_id(%barrier3A_14)
    %scan3A_15 = arith.constant 0 : i32
    %scan3A_16 = arith.constant 0 : i32
    %scan3A_17 = arith.constant 8 : i32
    %scan3A_18 = arith.addi %scan3A_16, %scan3A_17 : i32
    %scan3A_19 = arith.constant 1 : i32
    scf.for %scan3A_21 = %scan3A_16 to %scan3A_18 step %scan3A_19  : i32 {
      %mul3A_22 = arith.constant 16 : i32
      %mul3A_23 = arith.muli %scan3A_21, %mul3A_22 : i32
      %add3A_24 = arith.addi %arg1, %mul3A_23 : i32
      %lt3A = arith.constant 125 : i32
      %lt3A_25 = arith.cmpi slt, %add3A_24, %lt3A : i32
      %convert_element_type3A = arith.extui %lt3A_25 : i1 to i32
      %cond3A = arith.constant 0 : i32
      %cond3A_26 = arith.cmpi ne, %convert_element_type3A, %cond3A : i32
      scf.if %cond3A_26 {
        %mul3A_27 = arith.constant 80 : i32
        %mul3A_28 = arith.muli %add3A_24, %mul3A_27 : i32
        "tpu.region"() ({
          %run_scoped3A = tpu.sem_alloc : memref<!tpu.dma_semaphore, #tpu.memory_space<semaphore_mem>>
          %dma_start3A = arith.constant 0 : i32
          %dma_start3A_34 = tpu.memref_slice %arg8[%mul3A_28, %dma_start3A] : memref<10000x128xf32, #tpu.memory_space<vmem_shared>> -> memref<80x128xf32, #tpu.memory_space<vmem_shared>>
          %dma_start3A_35 = arith.constant 0 : i32
          %dma_start3A_36 = tpu.memref_slice %arg8[%mul3A_28, %dma_start3A_35] : memref<10000x128xf32, #tpu.memory_space<vmem_shared>> -> memref<80x128xf32, #tpu.memory_space<vmem_shared>>
          tpu.enqueue_dma source(%dma_start3A_36 : memref<80x128xf32, #tpu.memory_space<vmem_shared>>) target(%arg7 : memref<80x128xf32, #tpu.memory_space<vmem>>) target_semaphore(%run_scoped3A : memref<!tpu.dma_semaphore, #tpu.memory_space<semaphore_mem>>)
          %dma_wait3A = arith.constant 0 : i32
          %dma_wait3A_37 = tpu.memref_slice %arg8[%mul3A_28, %dma_wait3A] : memref<10000x128xf32, #tpu.memory_space<vmem_shared>> -> memref<80x128xf32, #tpu.memory_space<vmem_shared>>
          %dma_wait3A_38 = arith.constant 0 : i32
          %dma_wait3A_39 = tpu.memref_slice %arg8[%mul3A_28, %dma_wait3A_38] : memref<10000x128xf32, #tpu.memory_space<vmem_shared>> -> memref<80x128xf32, #tpu.memory_space<vmem_shared>>
          tpu.wait_dma2 semaphore(%run_scoped3A : memref<!tpu.dma_semaphore, #tpu.memory_space<semaphore_mem>>) src(%dma_wait3A_39 : memref<80x128xf32, #tpu.memory_space<vmem_shared>>) dst(%arg7 : memref<80x128xf32, #tpu.memory_space<vmem>>)
          tpu.yield
        }) : () -> ()
        %mul3A_29 = arith.constant 10000 : i32
        %mul3A_30 = arith.muli %arg0, %mul3A_29 : i32
        %mul3A_31 = arith.constant 80 : i32
        %mul3A_32 = arith.muli %add3A_24, %mul3A_31 : i32
        %add3A_33 = arith.addi %mul3A_30, %mul3A_32 : i32
        "tpu.region"() ({
          %run_scoped3A = tpu.sem_alloc : memref<!tpu.dma_semaphore, #tpu.memory_space<semaphore_mem>>
          %dma_start3A = arith.constant 0 : i32
          %dma_start3A_34 = tpu.memref_slice %arg5[%add3A_33, %dma_start3A] : memref<20000x128xf32, #tpu.memory_space<hbm>> -> memref<80x128xf32, #tpu.memory_space<hbm>>
          %dma_start3A_35 = arith.constant 0 : i32
          %dma_start3A_36 = tpu.memref_slice %arg5[%add3A_33, %dma_start3A_35] : memref<20000x128xf32, #tpu.memory_space<hbm>> -> memref<80x128xf32, #tpu.memory_space<hbm>>
          tpu.enqueue_dma source(%arg7 : memref<80x128xf32, #tpu.memory_space<vmem>>) target(%dma_start3A_36 : memref<80x128xf32, #tpu.memory_space<hbm>>) target_semaphore(%run_scoped3A : memref<!tpu.dma_semaphore, #tpu.memory_space<semaphore_mem>>)
          %dma_wait3A = arith.constant 0 : i32
          %dma_wait3A_37 = tpu.memref_slice %arg5[%add3A_33, %dma_wait3A] : memref<20000x128xf32, #tpu.memory_space<hbm>> -> memref<80x128xf32, #tpu.memory_space<hbm>>
          %dma_wait3A_38 = arith.constant 0 : i32
          %dma_wait3A_39 = tpu.memref_slice %arg5[%add3A_33, %dma_wait3A_38] : memref<20000x128xf32, #tpu.memory_space<hbm>> -> memref<80x128xf32, #tpu.memory_space<hbm>>
          tpu.wait_dma2 semaphore(%run_scoped3A : memref<!tpu.dma_semaphore, #tpu.memory_space<semaphore_mem>>) src(%arg7 : memref<80x128xf32, #tpu.memory_space<vmem>>) dst(%dma_wait3A_39 : memref<80x128xf32, #tpu.memory_space<hbm>>)
          tpu.yield
        }) : () -> ()
      } else {
      }
    }
    %scan3A_20 = arith.constant 8 : i32
    return
  }
}

#map = affine_map<(d0, d1) -> (0, 0)>
#map1 = affine_map<(d0, d1) -> (0)>
module attributes {stable_mosaic.version = 14 : i64} {
  func.func @_sc_scatter_body(%arg0: i32, %arg1: i32, %arg2: memref<10000x128xf32, #tpu.memory_space<hbm>>, %arg3: memref<320000xi32, #tpu.memory_space<hbm>>, %arg4: memref<320000xi32, #tpu.memory_space<hbm>>, %arg5: memref<80x128xf32, #tpu.memory_space<hbm>>, %arg6: memref<20000x128xf32, #tpu.memory_space<hbm>>, %arg7: memref<80xi32, #tpu.memory_space<vmem>>, %arg8: memref<80xi32, #tpu.memory_space<vmem>>, %arg9: memref<80x128xf32, #tpu.memory_space<vmem>>, %arg10: memref<10000x128xf32, #tpu.memory_space<vmem_shared>>, %arg11: memref<!tpu.dma_semaphore, #tpu.memory_space<semaphore_mem>>) attributes {dimension_semantics = [#tpu.dimension_semantics<core_parallel>, #tpu.dimension_semantics<subcore_parallel>], iteration_bounds = array<i64: 2, 16>, scalar_prefetch = 0 : i64, scratch_operands = 5 : i64, tpu.core_type = #tpu.core_type<sc_vector_subcore>, window_params = [{transform_indices = #map}, {transform_indices = #map1}, {transform_indices = #map1}, {transform_indices = #map}, {transform_indices = #map}]} {
    %mul3A = arith.constant 16 : i32
    %mul3A_0 = arith.muli %arg0, %mul3A : i32
    %add3A = arith.addi %mul3A_0, %arg1 : i32
    "tpu.region"() ({
      %run_scoped3A = tpu.sem_alloc : memref<!tpu.dma_semaphore, #tpu.memory_space<semaphore_mem>>
      tpu.enqueue_dma source(%arg5 : memref<80x128xf32, #tpu.memory_space<hbm>>) target(%arg9 : memref<80x128xf32, #tpu.memory_space<vmem>>) target_semaphore(%run_scoped3A : memref<!tpu.dma_semaphore, #tpu.memory_space<semaphore_mem>>)
      tpu.wait_dma2 semaphore(%run_scoped3A : memref<!tpu.dma_semaphore, #tpu.memory_space<semaphore_mem>>) src(%arg5 : memref<80x128xf32, #tpu.memory_space<hbm>>) dst(%arg9 : memref<80x128xf32, #tpu.memory_space<vmem>>)
      tpu.yield
    }) : () -> ()
    %scan3A = arith.constant 0 : i32
    %scan3A_1 = arith.constant 0 : i32
    %scan3A_2 = arith.constant 8 : i32
    %scan3A_3 = arith.addi %scan3A_1, %scan3A_2 : i32
    %scan3A_4 = arith.constant 1 : i32
    scf.for %scan3A_21 = %scan3A_1 to %scan3A_3 step %scan3A_4  : i32 {
      %mul3A_22 = arith.constant 16 : i32
      %mul3A_23 = arith.muli %scan3A_21, %mul3A_22 : i32
      %add3A_24 = arith.addi %arg1, %mul3A_23 : i32
      %lt3A = arith.constant 125 : i32
      %lt3A_25 = arith.cmpi slt, %add3A_24, %lt3A : i32
      %convert_element_type3A = arith.extui %lt3A_25 : i1 to i32
      %cond3A = arith.constant 0 : i32
      %cond3A_26 = arith.cmpi ne, %convert_element_type3A, %cond3A : i32
      scf.if %cond3A_26 {
        %mul3A_27 = arith.constant 80 : i32
        %mul3A_28 = arith.muli %add3A_24, %mul3A_27 : i32
        "tpu.region"() ({
          %run_scoped3A = tpu.sem_alloc : memref<!tpu.dma_semaphore, #tpu.memory_space<semaphore_mem>>
          %dma_start3A = arith.constant 0 : i32
          %dma_start3A_29 = tpu.memref_slice %arg10[%mul3A_28, %dma_start3A] : memref<10000x128xf32, #tpu.memory_space<vmem_shared>> -> memref<80x128xf32, #tpu.memory_space<vmem_shared>>
          %dma_start3A_30 = arith.constant 0 : i32
          %dma_start3A_31 = tpu.memref_slice %arg10[%mul3A_28, %dma_start3A_30] : memref<10000x128xf32, #tpu.memory_space<vmem_shared>> -> memref<80x128xf32, #tpu.memory_space<vmem_shared>>
          tpu.enqueue_dma source(%arg9 : memref<80x128xf32, #tpu.memory_space<vmem>>) target(%dma_start3A_31 : memref<80x128xf32, #tpu.memory_space<vmem_shared>>) target_semaphore(%run_scoped3A : memref<!tpu.dma_semaphore, #tpu.memory_space<semaphore_mem>>)
          %dma_wait3A = arith.constant 0 : i32
          %dma_wait3A_32 = tpu.memref_slice %arg10[%mul3A_28, %dma_wait3A] : memref<10000x128xf32, #tpu.memory_space<vmem_shared>> -> memref<80x128xf32, #tpu.memory_space<vmem_shared>>
          %dma_wait3A_33 = arith.constant 0 : i32
          %dma_wait3A_34 = tpu.memref_slice %arg10[%mul3A_28, %dma_wait3A_33] : memref<10000x128xf32, #tpu.memory_space<vmem_shared>> -> memref<80x128xf32, #tpu.memory_space<vmem_shared>>
          tpu.wait_dma2 semaphore(%run_scoped3A : memref<!tpu.dma_semaphore, #tpu.memory_space<semaphore_mem>>) src(%arg9 : memref<80x128xf32, #tpu.memory_space<vmem>>) dst(%dma_wait3A_34 : memref<80x128xf32, #tpu.memory_space<vmem_shared>>)
          tpu.yield
        }) : () -> ()
      } else {
      }
    }
    %scan3A_5 = arith.constant 8 : i32
    %barrier3A = arith.constant 0 : index
    tpu.barrier barrier_id(%barrier3A)
    %mul3A_6 = arith.constant 10000 : i32
    %mul3A_7 = arith.muli %add3A, %mul3A_6 : i32
    %scan3A_8 = arith.constant 0 : i32
    %scan3A_9 = arith.constant 0 : i32
    %scan3A_10 = arith.constant 125 : i32
    %scan3A_11 = arith.addi %scan3A_9, %scan3A_10 : i32
    %scan3A_12 = arith.constant 1 : i32
    scf.for %scan3A_21 = %scan3A_9 to %scan3A_11 step %scan3A_12  : i32 {
      %mul3A_22 = arith.constant 80 : i32
      %mul3A_23 = arith.muli %scan3A_21, %mul3A_22 : i32
      %add3A_24 = arith.addi %mul3A_7, %mul3A_23 : i32
      "tpu.region"() ({
        %run_scoped3A = tpu.sem_alloc : memref<!tpu.dma_semaphore, #tpu.memory_space<semaphore_mem>>
        %dma_start3A_32 = tpu.memref_slice %arg3[%add3A_24] : memref<320000xi32, #tpu.memory_space<hbm>> -> memref<80xi32, #tpu.memory_space<hbm>>
        %dma_start3A_33 = tpu.memref_slice %arg3[%add3A_24] : memref<320000xi32, #tpu.memory_space<hbm>> -> memref<80xi32, #tpu.memory_space<hbm>>
        tpu.enqueue_dma source(%dma_start3A_33 : memref<80xi32, #tpu.memory_space<hbm>>) target(%arg7 : memref<80xi32, #tpu.memory_space<vmem>>) target_semaphore(%run_scoped3A : memref<!tpu.dma_semaphore, #tpu.memory_space<semaphore_mem>>)
        %dma_wait3A_34 = tpu.memref_slice %arg3[%add3A_24] : memref<320000xi32, #tpu.memory_space<hbm>> -> memref<80xi32, #tpu.memory_space<hbm>>
        %dma_wait3A_35 = tpu.memref_slice %arg3[%add3A_24] : memref<320000xi32, #tpu.memory_space<hbm>> -> memref<80xi32, #tpu.memory_space<hbm>>
        tpu.wait_dma2 semaphore(%run_scoped3A : memref<!tpu.dma_semaphore, #tpu.memory_space<semaphore_mem>>) src(%dma_wait3A_35 : memref<80xi32, #tpu.memory_space<hbm>>) dst(%arg7 : memref<80xi32, #tpu.memory_space<vmem>>)
        tpu.yield
      }) : () -> ()
      %mul3A_25 = arith.constant 80 : i32
      %mul3A_26 = arith.muli %scan3A_21, %mul3A_25 : i32
      %add3A_27 = arith.addi %mul3A_7, %mul3A_26 : i32
      "tpu.region"() ({
        %run_scoped3A = tpu.sem_alloc : memref<!tpu.dma_semaphore, #tpu.memory_space<semaphore_mem>>
        %dma_start3A_32 = tpu.memref_slice %arg4[%add3A_27] : memref<320000xi32, #tpu.memory_space<hbm>> -> memref<80xi32, #tpu.memory_space<hbm>>
        %dma_start3A_33 = tpu.memref_slice %arg4[%add3A_27] : memref<320000xi32, #tpu.memory_space<hbm>> -> memref<80xi32, #tpu.memory_space<hbm>>
        tpu.enqueue_dma source(%dma_start3A_33 : memref<80xi32, #tpu.memory_space<hbm>>) target(%arg8 : memref<80xi32, #tpu.memory_space<vmem>>) target_semaphore(%run_scoped3A : memref<!tpu.dma_semaphore, #tpu.memory_space<semaphore_mem>>)
        %dma_wait3A_34 = tpu.memref_slice %arg4[%add3A_27] : memref<320000xi32, #tpu.memory_space<hbm>> -> memref<80xi32, #tpu.memory_space<hbm>>
        %dma_wait3A_35 = tpu.memref_slice %arg4[%add3A_27] : memref<320000xi32, #tpu.memory_space<hbm>> -> memref<80xi32, #tpu.memory_space<hbm>>
        tpu.wait_dma2 semaphore(%run_scoped3A : memref<!tpu.dma_semaphore, #tpu.memory_space<semaphore_mem>>) src(%dma_wait3A_35 : memref<80xi32, #tpu.memory_space<hbm>>) dst(%arg8 : memref<80xi32, #tpu.memory_space<vmem>>)
        tpu.yield
      }) : () -> ()
      %dma_start3A = arith.constant 0 : i32
      %dma_start3A_28 = arith.constant 0 : i32
      %dma_start3A_29 = tpu.memref_slice %arg2[%dma_start3A, %dma_start3A_28] : memref<10000x128xf32, #tpu.memory_space<hbm>> -> memref<10000x128xf32, #tpu.memory_space<hbm>>
      tpu.enqueue_indirect_dma source(%dma_start3A_29 : memref<10000x128xf32, #tpu.memory_space<hbm>>) target(%arg9 : memref<80x128xf32, #tpu.memory_space<vmem>>) offsets(%arg7 : memref<80xi32, #tpu.memory_space<vmem>>) semaphore(%arg11 : memref<!tpu.dma_semaphore, #tpu.memory_space<semaphore_mem>>)
      %dma_wait3A = arith.constant 0 : i32
      %dma_wait3A_30 = arith.constant 0 : i32
      %dma_wait3A_31 = tpu.memref_slice %arg2[%dma_wait3A, %dma_wait3A_30] : memref<10000x128xf32, #tpu.memory_space<hbm>> -> memref<10000x128xf32, #tpu.memory_space<hbm>>
      tpu.wait_indirect_dma semaphore(%arg11 : memref<!tpu.dma_semaphore, #tpu.memory_space<semaphore_mem>>) src(%dma_wait3A_31 : memref<10000x128xf32, #tpu.memory_space<hbm>>) dst(%arg9 : memref<80x128xf32, #tpu.memory_space<vmem>>)
      "tpu.region"() ({
        %run_scoped3A = tpu.sem_alloc : memref<!tpu.dma_semaphore, #tpu.memory_space<semaphore_mem>>
        %dma_start3A_32 = arith.constant 0 : i32
        %dma_start3A_33 = arith.constant 0 : i32
        %dma_start3A_34 = tpu.memref_slice %arg10[%dma_start3A_32, %dma_start3A_33] : memref<10000x128xf32, #tpu.memory_space<vmem_shared>> -> memref<10000x128xf32, #tpu.memory_space<vmem_shared>>
        tpu.enqueue_indirect_dma source(%arg9 : memref<80x128xf32, #tpu.memory_space<vmem>>) target(%dma_start3A_34 : memref<10000x128xf32, #tpu.memory_space<vmem_shared>>) offsets(%arg8 : memref<80xi32, #tpu.memory_space<vmem>>) semaphore(%run_scoped3A : memref<!tpu.dma_semaphore, #tpu.memory_space<semaphore_mem>>) {add = true}
        %dma_wait3A_35 = arith.constant 0 : i32
        %dma_wait3A_36 = arith.constant 0 : i32
        %dma_wait3A_37 = tpu.memref_slice %arg10[%dma_wait3A_35, %dma_wait3A_36] : memref<10000x128xf32, #tpu.memory_space<vmem_shared>> -> memref<10000x128xf32, #tpu.memory_space<vmem_shared>>
        tpu.wait_indirect_dma semaphore(%run_scoped3A : memref<!tpu.dma_semaphore, #tpu.memory_space<semaphore_mem>>) src(%arg9 : memref<80x128xf32, #tpu.memory_space<vmem>>) dst(%dma_wait3A_37 : memref<10000x128xf32, #tpu.memory_space<vmem_shared>>)
        tpu.yield
      }) : () -> ()
    }
    %scan3A_13 = arith.constant 125 : i32
    %barrier3A_14 = arith.constant 0 : index
    tpu.barrier barrier_id(%barrier3A_14)
    %scan3A_15 = arith.constant 0 : i32
    %scan3A_16 = arith.constant 0 : i32
    %scan3A_17 = arith.constant 8 : i32
    %scan3A_18 = arith.addi %scan3A_16, %scan3A_17 : i32
    %scan3A_19 = arith.constant 1 : i32
    scf.for %scan3A_21 = %scan3A_16 to %scan3A_18 step %scan3A_19  : i32 {
      %mul3A_22 = arith.constant 16 : i32
      %mul3A_23 = arith.muli %scan3A_21, %mul3A_22 : i32
      %add3A_24 = arith.addi %arg1, %mul3A_23 : i32
      %lt3A = arith.constant 125 : i32
      %lt3A_25 = arith.cmpi slt, %add3A_24, %lt3A : i32
      %convert_element_type3A = arith.extui %lt3A_25 : i1 to i32
      %cond3A = arith.constant 0 : i32
      %cond3A_26 = arith.cmpi ne, %convert_element_type3A, %cond3A : i32
      scf.if %cond3A_26 {
        %mul3A_27 = arith.constant 80 : i32
        %mul3A_28 = arith.muli %add3A_24, %mul3A_27 : i32
        "tpu.region"() ({
          %run_scoped3A = tpu.sem_alloc : memref<!tpu.dma_semaphore, #tpu.memory_space<semaphore_mem>>
          %dma_start3A = arith.constant 0 : i32
          %dma_start3A_34 = tpu.memref_slice %arg10[%mul3A_28, %dma_start3A] : memref<10000x128xf32, #tpu.memory_space<vmem_shared>> -> memref<80x128xf32, #tpu.memory_space<vmem_shared>>
          %dma_start3A_35 = arith.constant 0 : i32
          %dma_start3A_36 = tpu.memref_slice %arg10[%mul3A_28, %dma_start3A_35] : memref<10000x128xf32, #tpu.memory_space<vmem_shared>> -> memref<80x128xf32, #tpu.memory_space<vmem_shared>>
          tpu.enqueue_dma source(%dma_start3A_36 : memref<80x128xf32, #tpu.memory_space<vmem_shared>>) target(%arg9 : memref<80x128xf32, #tpu.memory_space<vmem>>) target_semaphore(%run_scoped3A : memref<!tpu.dma_semaphore, #tpu.memory_space<semaphore_mem>>)
          %dma_wait3A = arith.constant 0 : i32
          %dma_wait3A_37 = tpu.memref_slice %arg10[%mul3A_28, %dma_wait3A] : memref<10000x128xf32, #tpu.memory_space<vmem_shared>> -> memref<80x128xf32, #tpu.memory_space<vmem_shared>>
          %dma_wait3A_38 = arith.constant 0 : i32
          %dma_wait3A_39 = tpu.memref_slice %arg10[%mul3A_28, %dma_wait3A_38] : memref<10000x128xf32, #tpu.memory_space<vmem_shared>> -> memref<80x128xf32, #tpu.memory_space<vmem_shared>>
          tpu.wait_dma2 semaphore(%run_scoped3A : memref<!tpu.dma_semaphore, #tpu.memory_space<semaphore_mem>>) src(%dma_wait3A_39 : memref<80x128xf32, #tpu.memory_space<vmem_shared>>) dst(%arg9 : memref<80x128xf32, #tpu.memory_space<vmem>>)
          tpu.yield
        }) : () -> ()
        %mul3A_29 = arith.constant 10000 : i32
        %mul3A_30 = arith.muli %arg0, %mul3A_29 : i32
        %mul3A_31 = arith.constant 80 : i32
        %mul3A_32 = arith.muli %add3A_24, %mul3A_31 : i32
        %add3A_33 = arith.addi %mul3A_30, %mul3A_32 : i32
        "tpu.region"() ({
          %run_scoped3A = tpu.sem_alloc : memref<!tpu.dma_semaphore, #tpu.memory_space<semaphore_mem>>
          %dma_start3A = arith.constant 0 : i32
          %dma_start3A_34 = tpu.memref_slice %arg6[%add3A_33, %dma_start3A] : memref<20000x128xf32, #tpu.memory_space<hbm>> -> memref<80x128xf32, #tpu.memory_space<hbm>>
          %dma_start3A_35 = arith.constant 0 : i32
          %dma_start3A_36 = tpu.memref_slice %arg6[%add3A_33, %dma_start3A_35] : memref<20000x128xf32, #tpu.memory_space<hbm>> -> memref<80x128xf32, #tpu.memory_space<hbm>>
          tpu.enqueue_dma source(%arg9 : memref<80x128xf32, #tpu.memory_space<vmem>>) target(%dma_start3A_36 : memref<80x128xf32, #tpu.memory_space<hbm>>) target_semaphore(%run_scoped3A : memref<!tpu.dma_semaphore, #tpu.memory_space<semaphore_mem>>)
          %dma_wait3A = arith.constant 0 : i32
          %dma_wait3A_37 = tpu.memref_slice %arg6[%add3A_33, %dma_wait3A] : memref<20000x128xf32, #tpu.memory_space<hbm>> -> memref<80x128xf32, #tpu.memory_space<hbm>>
          %dma_wait3A_38 = arith.constant 0 : i32
          %dma_wait3A_39 = tpu.memref_slice %arg6[%add3A_33, %dma_wait3A_38] : memref<20000x128xf32, #tpu.memory_space<hbm>> -> memref<80x128xf32, #tpu.memory_space<hbm>>
          tpu.wait_dma2 semaphore(%run_scoped3A : memref<!tpu.dma_semaphore, #tpu.memory_space<semaphore_mem>>) src(%arg9 : memref<80x128xf32, #tpu.memory_space<vmem>>) dst(%dma_wait3A_39 : memref<80x128xf32, #tpu.memory_space<hbm>>)
          tpu.yield
        }) : () -> ()
      } else {
      }
    }
    %scan3A_20 = arith.constant 8 : i32
    return
  }
}

module attributes {stable_mosaic.version = 14 : i64} {
  func.func @_tc_layer1_body(%arg0: i32, %arg1: memref<400x128xf32, #tpu.memory_space<vmem>>, %arg2: memref<400x128xf32, #tpu.memory_space<vmem>>, %arg3: memref<400x128xf32, #tpu.memory_space<vmem>>, %arg4: memref<128x128xf32, #tpu.memory_space<vmem>>, %arg5: memref<400x128xf32, #tpu.memory_space<vmem>>, %arg6: memref<400x128xf32, #tpu.memory_space<vmem>>) attributes {dimension_semantics = [#tpu.dimension_semantics<arbitrary>], iteration_bounds = array<i64: 25>, scalar_prefetch = 0 : i64, scratch_operands = 0 : i64, tpu.core_type = #tpu.core_type<tc>, window_params = [{transform_indices = @transform_0, window_bounds = array<i64: 400, 128>}, {transform_indices = @transform_1, window_bounds = array<i64: 400, 128>}, {transform_indices = @transform_2, window_bounds = array<i64: 400, 128>}, {pipeline_mode = #tpu.pipeline_mode<synchronous>, transform_indices = @transform_3, window_bounds = array<i64: 128, 128>}, {transform_indices = @transform_4, window_bounds = array<i64: 400, 128>}, {transform_indices = @transform_5, window_bounds = array<i64: 400, 128>}]} {
    %get3A = arith.constant 0 : index
    %get3A_0 = arith.constant 0 : index
    %get3A_1 = vector.load %arg2[%get3A, %get3A_0] : memref<400x128xf32, #tpu.memory_space<vmem>>, vector<400x128xf32>
    %get3A_2 = arith.constant 0 : index
    %get3A_3 = arith.constant 0 : index
    %get3A_4 = vector.load %arg3[%get3A_2, %get3A_3] : memref<400x128xf32, #tpu.memory_space<vmem>>, vector<400x128xf32>
    %add3A = arith.addf %get3A_1, %get3A_4 : vector<400x128xf32>
    %add3A_5 = arith.constant 1.000000e+00 : f32
    %add3A_6 = vector.broadcast %add3A_5 : f32 to vector<400x128xf32>
    %add3A_7 = arith.addf %add3A, %add3A_6 : vector<400x128xf32>
    %rsqrt3A = math.rsqrt %add3A_7 : vector<400x128xf32>
    %get3A_8 = arith.constant 0 : index
    %get3A_9 = arith.constant 0 : index
    %get3A_10 = vector.load %arg1[%get3A_8, %get3A_9] : memref<400x128xf32, #tpu.memory_space<vmem>>, vector<400x128xf32>
    %get3A_11 = arith.constant 0 : index
    %get3A_12 = arith.constant 0 : index
    %get3A_13 = vector.load %arg4[%get3A_11, %get3A_12] : memref<128x128xf32, #tpu.memory_space<vmem>>, vector<128x128xf32>
    %dot_general3A = arith.constant dense<0.000000e+00> : vector<400x128xf32>
    %dot_general3A_14 = tpu.matmul %get3A_10, %get3A_13, %dot_general3A {dimension_numbers = #tpu.dot_dimension_numbers<[1], [0], [0], [1], [0, 0, 1, 1], [], []>, transpose_lhs_hint = false} : vector<400x128xf32>, vector<128x128xf32>, vector<400x128xf32> -> vector<400x128xf32>
    %swap3A = arith.constant 0 : index
    %swap3A_15 = arith.constant 0 : index
    %swap3A_16 = vector.load %arg6[%swap3A, %swap3A_15] : memref<400x128xf32, #tpu.memory_space<vmem>>, vector<400x128xf32>
    tpu.vector_store %arg6[%swap3A, %swap3A_15], %rsqrt3A {strides = array<i32>} : memref<400x128xf32, #tpu.memory_space<vmem>>, vector<400x128xf32>,
    %mul3A = arith.mulf %dot_general3A_14, %rsqrt3A : vector<400x128xf32>
    %swap3A_17 = arith.constant 0 : index
    %swap3A_18 = arith.constant 0 : index
    %swap3A_19 = vector.load %arg5[%swap3A_17, %swap3A_18] : memref<400x128xf32, #tpu.memory_space<vmem>>, vector<400x128xf32>
    tpu.vector_store %arg5[%swap3A_17, %swap3A_18], %mul3A {strides = array<i32>} : memref<400x128xf32, #tpu.memory_space<vmem>>, vector<400x128xf32>,
    return
  }
  func.func @transform_0(%arg0: i32) -> (i32, i32) {
    %c0_i32 = arith.constant 0 : i32
    %c0_i32_0 = arith.constant 0 : i32
    return %arg0, %c0_i32 : i32, i32
  }
  func.func @transform_1(%arg0: i32) -> (i32, i32) {
    %c0_i32 = arith.constant 0 : i32
    %c0_i32_0 = arith.constant 0 : i32
    return %arg0, %c0_i32 : i32, i32
  }
  func.func @transform_2(%arg0: i32) -> (i32, i32) {
    %c0_i32 = arith.constant 0 : i32
    %c0_i32_0 = arith.constant 0 : i32
    return %arg0, %c0_i32 : i32, i32
  }
  func.func @transform_3(%arg0: i32) -> (i32, i32) {
    %c0_i32 = arith.constant 0 : i32
    %c0_i32_0 = arith.constant 0 : i32
    %c0_i32_1 = arith.constant 0 : i32
    return %c0_i32, %c0_i32_0 : i32, i32
  }
  func.func @transform_4(%arg0: i32) -> (i32, i32) {
    %c0_i32 = arith.constant 0 : i32
    %c0_i32_0 = arith.constant 0 : i32
    return %arg0, %c0_i32 : i32, i32
  }
  func.func @transform_5(%arg0: i32) -> (i32, i32) {
    %c0_i32 = arith.constant 0 : i32
    %c0_i32_0 = arith.constant 0 : i32
    return %arg0, %c0_i32 : i32, i32
  }
}

module attributes {stable_mosaic.version = 14 : i64} {
  func.func @_tc_layer2_body(%arg0: i32, %arg1: memref<400x128xf32, #tpu.memory_space<vmem>>, %arg2: memref<400x128xf32, #tpu.memory_space<vmem>>, %arg3: memref<400x128xf32, #tpu.memory_space<vmem>>, %arg4: memref<400x128xf32, #tpu.memory_space<vmem>>, %arg5: memref<128x128xf32, #tpu.memory_space<vmem>>, %arg6: memref<1x128xf32, #tpu.memory_space<vmem>>, %arg7: memref<400x128xf32, #tpu.memory_space<vmem>>) attributes {dimension_semantics = [#tpu.dimension_semantics<arbitrary>], iteration_bounds = array<i64: 25>, scalar_prefetch = 0 : i64, scratch_operands = 0 : i64, tpu.core_type = #tpu.core_type<tc>, window_params = [{transform_indices = @transform_0, window_bounds = array<i64: 400, 128>}, {transform_indices = @transform_1, window_bounds = array<i64: 400, 128>}, {transform_indices = @transform_2, window_bounds = array<i64: 400, 128>}, {transform_indices = @transform_3, window_bounds = array<i64: 400, 128>}, {pipeline_mode = #tpu.pipeline_mode<synchronous>, transform_indices = @transform_4, window_bounds = array<i64: 128, 128>}, {pipeline_mode = #tpu.pipeline_mode<synchronous>, transform_indices = @transform_5, window_bounds = array<i64: 1, 128>}, {transform_indices = @transform_6, window_bounds = array<i64: 400, 128>}]} {
    %get3A = arith.constant 0 : index
    %get3A_0 = arith.constant 0 : index
    %get3A_1 = vector.load %arg4[%get3A, %get3A_0] : memref<400x128xf32, #tpu.memory_space<vmem>>, vector<400x128xf32>
    %get3A_2 = arith.constant 0 : index
    %get3A_3 = arith.constant 0 : index
    %get3A_4 = vector.load %arg1[%get3A_2, %get3A_3] : memref<400x128xf32, #tpu.memory_space<vmem>>, vector<400x128xf32>
    %get3A_5 = arith.constant 0 : index
    %get3A_6 = arith.constant 0 : index
    %get3A_7 = vector.load %arg2[%get3A_5, %get3A_6] : memref<400x128xf32, #tpu.memory_space<vmem>>, vector<400x128xf32>
    %add3A = arith.addf %get3A_4, %get3A_7 : vector<400x128xf32>
    %get3A_8 = arith.constant 0 : index
    %get3A_9 = arith.constant 0 : index
    %get3A_10 = vector.load %arg3[%get3A_8, %get3A_9] : memref<400x128xf32, #tpu.memory_space<vmem>>, vector<400x128xf32>
    %add3A_11 = arith.addf %add3A, %get3A_10 : vector<400x128xf32>
    %mul3A = arith.mulf %add3A_11, %get3A_1 : vector<400x128xf32>
    %get3A_12 = arith.constant 0 : index
    %get3A_13 = arith.constant 0 : index
    %get3A_14 = vector.load %arg6[%get3A_12, %get3A_13] : memref<1x128xf32, #tpu.memory_space<vmem>>, vector<1x128xf32>
    %add3A_15 = vector.broadcast %get3A_14 : vector<1x128xf32> to vector<400x128xf32>
    %add3A_16 = arith.addf %mul3A, %add3A_15 : vector<400x128xf32>
    %max3A = arith.constant 0.000000e+00 : f32
    %max3A_17 = vector.broadcast %max3A : f32 to vector<400x128xf32>
    %max3A_18 = arith.maximumf %add3A_16, %max3A_17 : vector<400x128xf32>
    %get3A_19 = arith.constant 0 : index
    %get3A_20 = arith.constant 0 : index
    %get3A_21 = vector.load %arg5[%get3A_19, %get3A_20] : memref<128x128xf32, #tpu.memory_space<vmem>>, vector<128x128xf32>
    %dot_general3A = arith.constant dense<0.000000e+00> : vector<400x128xf32>
    %dot_general3A_22 = tpu.matmul %max3A_18, %get3A_21, %dot_general3A {dimension_numbers = #tpu.dot_dimension_numbers<[1], [0], [0], [1], [0, 0, 1, 1], [], []>, transpose_lhs_hint = false} : vector<400x128xf32>, vector<128x128xf32>, vector<400x128xf32> -> vector<400x128xf32>
    %mul3A_23 = arith.mulf %dot_general3A_22, %get3A_1 : vector<400x128xf32>
    %swap3A = arith.constant 0 : index
    %swap3A_24 = arith.constant 0 : index
    %swap3A_25 = vector.load %arg7[%swap3A, %swap3A_24] : memref<400x128xf32, #tpu.memory_space<vmem>>, vector<400x128xf32>
    tpu.vector_store %arg7[%swap3A, %swap3A_24], %mul3A_23 {strides = array<i32>} : memref<400x128xf32, #tpu.memory_space<vmem>>, vector<400x128xf32>,
    return
  }
  func.func @transform_0(%arg0: i32) -> (i32, i32) {
    %c0_i32 = arith.constant 0 : i32
    %c0_i32_0 = arith.constant 0 : i32
    return %arg0, %c0_i32 : i32, i32
  }
  func.func @transform_1(%arg0: i32) -> (i32, i32) {
    %c0_i32 = arith.constant 0 : i32
    %c0_i32_0 = arith.constant 0 : i32
    return %arg0, %c0_i32 : i32, i32
  }
  func.func @transform_2(%arg0: i32) -> (i32, i32) {
    %c0_i32 = arith.constant 0 : i32
    %c0_i32_0 = arith.constant 0 : i32
    return %arg0, %c0_i32 : i32, i32
  }
  func.func @transform_3(%arg0: i32) -> (i32, i32) {
    %c0_i32 = arith.constant 0 : i32
    %c0_i32_0 = arith.constant 0 : i32
    return %arg0, %c0_i32 : i32, i32
  }
  func.func @transform_4(%arg0: i32) -> (i32, i32) {
    %c0_i32 = arith.constant 0 : i32
    %c0_i32_0 = arith.constant 0 : i32
    %c0_i32_1 = arith.constant 0 : i32
    return %c0_i32, %c0_i32_0 : i32, i32
  }
  func.func @transform_5(%arg0: i32) -> (i32, i32) {
    %c0_i32 = arith.constant 0 : i32
    %c0_i32_0 = arith.constant 0 : i32
    %c0_i32_1 = arith.constant 0 : i32
    return %c0_i32, %c0_i32_0 : i32, i32
  }
  func.func @transform_6(%arg0: i32) -> (i32, i32) {
    %c0_i32 = arith.constant 0 : i32
    %c0_i32_0 = arith.constant 0 : i32
    return %arg0, %c0_i32 : i32, i32
  }
}

module attributes {stable_mosaic.version = 14 : i64} {
  func.func @_tc_pool_body(%arg0: i32, %arg1: memref<400x128xf32, #tpu.memory_space<vmem>>, %arg2: memref<400x128xf32, #tpu.memory_space<vmem>>, %arg3: memref<400x128xf32, #tpu.memory_space<vmem>>, %arg4: memref<400x128xf32, #tpu.memory_space<vmem>>, %arg5: memref<1x128xf32, #tpu.memory_space<vmem>>, %arg6: memref<400x1xi32, #tpu.memory_space<vmem>>, %arg7: memref<128x128xf32, #tpu.memory_space<vmem>>, %arg8: memref<1x128xf32, #tpu.memory_space<vmem>>, %arg9: memref<64x128xf32, #tpu.memory_space<vmem>>, %arg10: memref<64x128xf32, #tpu.memory_space<vmem>>, %arg11: memref<64x128xf32, #tpu.memory_space<vmem>>) attributes {dimension_semantics = [#tpu.dimension_semantics<arbitrary>], iteration_bounds = array<i64: 25>, scalar_prefetch = 0 : i64, scratch_operands = 2 : i64, tpu.core_type = #tpu.core_type<tc>, window_params = [{transform_indices = @transform_0, window_bounds = array<i64: 400, 128>}, {transform_indices = @transform_1, window_bounds = array<i64: 400, 128>}, {transform_indices = @transform_2, window_bounds = array<i64: 400, 128>}, {transform_indices = @transform_3, window_bounds = array<i64: 400, 128>}, {pipeline_mode = #tpu.pipeline_mode<synchronous>, transform_indices = @transform_4, window_bounds = array<i64: 1, 128>}, {transform_indices = @transform_5, window_bounds = array<i64: 400, 1>}, {pipeline_mode = #tpu.pipeline_mode<synchronous>, transform_indices = @transform_6, window_bounds = array<i64: 128, 128>}, {pipeline_mode = #tpu.pipeline_mode<synchronous>, transform_indices = @transform_7, window_bounds = array<i64: 1, 128>}, {pipeline_mode = #tpu.pipeline_mode<synchronous>, transform_indices = @transform_8, window_bounds = array<i64: 64, 128>}]} {
    %get3A = arith.constant 0 : index
    %get3A_0 = arith.constant 0 : index
    %get3A_1 = vector.load %arg1[%get3A, %get3A_0] : memref<400x128xf32, #tpu.memory_space<vmem>>, vector<400x128xf32>
    %get3A_2 = arith.constant 0 : index
    %get3A_3 = arith.constant 0 : index
    %get3A_4 = vector.load %arg2[%get3A_2, %get3A_3] : memref<400x128xf32, #tpu.memory_space<vmem>>, vector<400x128xf32>
    %add3A = arith.addf %get3A_1, %get3A_4 : vector<400x128xf32>
    %get3A_5 = arith.constant 0 : index
    %get3A_6 = arith.constant 0 : index
    %get3A_7 = vector.load %arg3[%get3A_5, %get3A_6] : memref<400x128xf32, #tpu.memory_space<vmem>>, vector<400x128xf32>
    %add3A_8 = arith.addf %add3A, %get3A_7 : vector<400x128xf32>
    %get3A_9 = arith.constant 0 : index
    %get3A_10 = arith.constant 0 : index
    %get3A_11 = vector.load %arg4[%get3A_9, %get3A_10] : memref<400x128xf32, #tpu.memory_space<vmem>>, vector<400x128xf32>
    %mul3A = arith.mulf %add3A_8, %get3A_11 : vector<400x128xf32>
    %get3A_12 = arith.constant 0 : index
    %get3A_13 = arith.constant 0 : index
    %get3A_14 = vector.load %arg5[%get3A_12, %get3A_13] : memref<1x128xf32, #tpu.memory_space<vmem>>, vector<1x128xf32>
    %add3A_15 = vector.broadcast %get3A_14 : vector<1x128xf32> to vector<400x128xf32>
    %add3A_16 = arith.addf %mul3A, %add3A_15 : vector<400x128xf32>
    %max3A = arith.constant 0.000000e+00 : f32
    %max3A_17 = vector.broadcast %max3A : f32 to vector<400x128xf32>
    %max3A_18 = arith.maximumf %add3A_16, %max3A_17 : vector<400x128xf32>
    %iota3A = tpu.iota {dimensions = array<i32: 1>} : vector<400x64xi32>
    %get3A_19 = arith.constant 0 : index
    %get3A_20 = arith.constant 0 : index
    %get3A_21 = vector.load %arg6[%get3A_19, %get3A_20] : memref<400x1xi32, #tpu.memory_space<vmem>>, vector<400x1xi32>
    %eq3A = vector.broadcast %get3A_21 : vector<400x1xi32> to vector<400x64xi32>
    %eq3A_22 = arith.cmpi eq, %eq3A, %iota3A : vector<400x64xi32>
    %convert_element_type3A = arith.extui %eq3A_22 : vector<400x64xi1> to vector<400x64xi32>
    %convert_element_type3A_23 = arith.sitofp %convert_element_type3A : vector<400x64xi32> to vector<400x64xf32>
    %dot_general3A = arith.constant dense<0.000000e+00> : vector<64x128xf32>
    %dot_general3A_24 = tpu.matmul %convert_element_type3A_23, %max3A_18, %dot_general3A {dimension_numbers = #tpu.dot_dimension_numbers<[0], [0], [1], [1], [0, 1, 1, 1], [], []>, transpose_lhs_hint = false} : vector<400x64xf32>, vector<400x128xf32>, vector<64x128xf32> -> vector<64x128xf32>
    %broadcast_in_dim3A = arith.constant 1.000000e+00 : f32
    %broadcast_in_dim3A_25 = vector.broadcast %broadcast_in_dim3A : f32 to vector<400x128xf32>
    %dot_general3A_26 = arith.constant dense<0.000000e+00> : vector<64x128xf32>
    %dot_general3A_27 = tpu.matmul %convert_element_type3A_23, %broadcast_in_dim3A_25, %dot_general3A_26 {dimension_numbers = #tpu.dot_dimension_numbers<[0], [0], [1], [1], [0, 1, 1, 1], [], []>, transpose_lhs_hint = false} : vector<400x64xf32>, vector<400x128xf32>, vector<64x128xf32> -> vector<64x128xf32>
    %eq3A_28 = arith.constant 0 : i32
    %eq3A_29 = arith.cmpi eq, %arg0, %eq3A_28 : i32
    %convert_element_type3A_30 = arith.extui %eq3A_29 : i1 to i32
    %cond3A = arith.constant 0 : i32
    %cond3A_31 = arith.cmpi ne, %convert_element_type3A_30, %cond3A : i32
    scf.if %cond3A_31 {
      %broadcast_in_dim3A_50 = arith.constant 0.000000e+00 : f32
      %broadcast_in_dim3A_51 = vector.broadcast %broadcast_in_dim3A_50 : f32 to vector<64x128xf32>
      %swap3A_52 = arith.constant 0 : index
      %swap3A_53 = arith.constant 0 : index
      %swap3A_54 = vector.load %arg10[%swap3A_52, %swap3A_53] : memref<64x128xf32, #tpu.memory_space<vmem>>, vector<64x128xf32>
      tpu.vector_store %arg10[%swap3A_52, %swap3A_53], %broadcast_in_dim3A_51 {strides = array<i32>} : memref<64x128xf32, #tpu.memory_space<vmem>>, vector<64x128xf32>,
      %broadcast_in_dim3A_55 = arith.constant 0.000000e+00 : f32
      %broadcast_in_dim3A_56 = vector.broadcast %broadcast_in_dim3A_55 : f32 to vector<64x128xf32>
      %swap3A_57 = arith.constant 0 : index
      %swap3A_58 = arith.constant 0 : index
      %swap3A_59 = vector.load %arg11[%swap3A_57, %swap3A_58] : memref<64x128xf32, #tpu.memory_space<vmem>>, vector<64x128xf32>
      tpu.vector_store %arg11[%swap3A_57, %swap3A_58], %broadcast_in_dim3A_56 {strides = array<i32>} : memref<64x128xf32, #tpu.memory_space<vmem>>, vector<64x128xf32>,
    } else {
    }
    %get3A_32 = arith.constant 0 : index
    %get3A_33 = arith.constant 0 : index
    %get3A_34 = vector.load %arg10[%get3A_32, %get3A_33] : memref<64x128xf32, #tpu.memory_space<vmem>>, vector<64x128xf32>
    %add3A_35 = arith.addf %get3A_34, %dot_general3A_24 : vector<64x128xf32>
    %swap3A = arith.constant 0 : index
    %swap3A_36 = arith.constant 0 : index
    %swap3A_37 = vector.load %arg10[%swap3A, %swap3A_36] : memref<64x128xf32, #tpu.memory_space<vmem>>, vector<64x128xf32>
    tpu.vector_store %arg10[%swap3A, %swap3A_36], %add3A_35 {strides = array<i32>} : memref<64x128xf32, #tpu.memory_space<vmem>>, vector<64x128xf32>,
    %get3A_38 = arith.constant 0 : index
    %get3A_39 = arith.constant 0 : index
    %get3A_40 = vector.load %arg11[%get3A_38, %get3A_39] : memref<64x128xf32, #tpu.memory_space<vmem>>, vector<64x128xf32>
    %add3A_41 = arith.addf %get3A_40, %dot_general3A_27 : vector<64x128xf32>
    %swap3A_42 = arith.constant 0 : index
    %swap3A_43 = arith.constant 0 : index
    %swap3A_44 = vector.load %arg11[%swap3A_42, %swap3A_43] : memref<64x128xf32, #tpu.memory_space<vmem>>, vector<64x128xf32>
    tpu.vector_store %arg11[%swap3A_42, %swap3A_43], %add3A_41 {strides = array<i32>} : memref<64x128xf32, #tpu.memory_space<vmem>>, vector<64x128xf32>,
    %eq3A_45 = arith.constant 24 : i32
    %eq3A_46 = arith.cmpi eq, %arg0, %eq3A_45 : i32
    %convert_element_type3A_47 = arith.extui %eq3A_46 : i1 to i32
    %cond3A_48 = arith.constant 0 : i32
    %cond3A_49 = arith.cmpi ne, %convert_element_type3A_47, %cond3A_48 : i32
    scf.if %cond3A_49 {
      %get3A_50 = arith.constant 0 : index
      %get3A_51 = arith.constant 0 : index
      %get3A_52 = vector.load %arg10[%get3A_50, %get3A_51] : memref<64x128xf32, #tpu.memory_space<vmem>>, vector<64x128xf32>
      %get3A_53 = arith.constant 0 : index
      %get3A_54 = arith.constant 0 : index
      %get3A_55 = vector.load %arg11[%get3A_53, %get3A_54] : memref<64x128xf32, #tpu.memory_space<vmem>>, vector<64x128xf32>
      %max3A_56 = arith.constant 1.000000e+00 : f32
      %max3A_57 = vector.broadcast %max3A_56 : f32 to vector<64x128xf32>
      %max3A_58 = arith.maximumf %get3A_55, %max3A_57 : vector<64x128xf32>
      %div3A = arith.divf %get3A_52, %max3A_58 : vector<64x128xf32>
      %get3A_59 = arith.constant 0 : index
      %get3A_60 = arith.constant 0 : index
      %get3A_61 = vector.load %arg7[%get3A_59, %get3A_60] : memref<128x128xf32, #tpu.memory_space<vmem>>, vector<128x128xf32>
      %dot_general3A_62 = arith.constant dense<0.000000e+00> : vector<64x128xf32>
      %dot_general3A_63 = tpu.matmul %div3A, %get3A_61, %dot_general3A_62 {dimension_numbers = #tpu.dot_dimension_numbers<[1], [0], [0], [1], [0, 0, 1, 1], [], []>, transpose_lhs_hint = false} : vector<64x128xf32>, vector<128x128xf32>, vector<64x128xf32> -> vector<64x128xf32>
      %get3A_64 = arith.constant 0 : index
      %get3A_65 = arith.constant 0 : index
      %get3A_66 = vector.load %arg8[%get3A_64, %get3A_65] : memref<1x128xf32, #tpu.memory_space<vmem>>, vector<1x128xf32>
      %add3A_67 = vector.broadcast %get3A_66 : vector<1x128xf32> to vector<64x128xf32>
      %add3A_68 = arith.addf %dot_general3A_63, %add3A_67 : vector<64x128xf32>
      %swap3A_69 = arith.constant 0 : index
      %swap3A_70 = arith.constant 0 : index
      %swap3A_71 = vector.load %arg9[%swap3A_69, %swap3A_70] : memref<64x128xf32, #tpu.memory_space<vmem>>, vector<64x128xf32>
      tpu.vector_store %arg9[%swap3A_69, %swap3A_70], %add3A_68 {strides = array<i32>} : memref<64x128xf32, #tpu.memory_space<vmem>>, vector<64x128xf32>,
    } else {
    }
    return
  }
  func.func @transform_0(%arg0: i32) -> (i32, i32) {
    %c0_i32 = arith.constant 0 : i32
    %c0_i32_0 = arith.constant 0 : i32
    return %arg0, %c0_i32 : i32, i32
  }
  func.func @transform_1(%arg0: i32) -> (i32, i32) {
    %c0_i32 = arith.constant 0 : i32
    %c0_i32_0 = arith.constant 0 : i32
    return %arg0, %c0_i32 : i32, i32
  }
  func.func @transform_2(%arg0: i32) -> (i32, i32) {
    %c0_i32 = arith.constant 0 : i32
    %c0_i32_0 = arith.constant 0 : i32
    return %arg0, %c0_i32 : i32, i32
  }
  func.func @transform_3(%arg0: i32) -> (i32, i32) {
    %c0_i32 = arith.constant 0 : i32
    %c0_i32_0 = arith.constant 0 : i32
    return %arg0, %c0_i32 : i32, i32
  }
  func.func @transform_4(%arg0: i32) -> (i32, i32) {
    %c0_i32 = arith.constant 0 : i32
    %c0_i32_0 = arith.constant 0 : i32
    %c0_i32_1 = arith.constant 0 : i32
    return %c0_i32, %c0_i32_0 : i32, i32
  }
  func.func @transform_5(%arg0: i32) -> (i32, i32) {
    %c0_i32 = arith.constant 0 : i32
    %c0_i32_0 = arith.constant 0 : i32
    return %arg0, %c0_i32 : i32, i32
  }
  func.func @transform_6(%arg0: i32) -> (i32, i32) {
    %c0_i32 = arith.constant 0 : i32
    %c0_i32_0 = arith.constant 0 : i32
    %c0_i32_1 = arith.constant 0 : i32
    return %c0_i32, %c0_i32_0 : i32, i32
  }
  func.func @transform_7(%arg0: i32) -> (i32, i32) {
    %c0_i32 = arith.constant 0 : i32
    %c0_i32_0 = arith.constant 0 : i32
    %c0_i32_1 = arith.constant 0 : i32
    return %c0_i32, %c0_i32_0 : i32, i32
  }
  func.func @transform_8(%arg0: i32) -> (i32, i32) {
    %c0_i32 = arith.constant 0 : i32
    %c0_i32_0 = arith.constant 0 : i32
    %c0_i32_1 = arith.constant 0 : i32
    return %c0_i32, %c0_i32_0 : i32, i32
  }
}

</mosaic_0001>

<sc_bundles>
// kernel: kernel.11.cloned.1.call-start
scs
__scs_entry_jumppad:
0x0: {  	(pc) =	sbr.rel $0x88, $3  }
0x1: {  	(tag) =	ssettag $0x0;
	lr =	simm.s32 $0x1  }
0x2: {  	[smem:$0x3F98] =	sst lr;
	_ =	strace $0xD0000000  }
0x3: {  	_ = 	snop  }
0x4: {  	_ = 	snop  }
0x5: {  	_ = 	snop  }
0x6: {  	_ = 	snop  }
0x7: {  	_ = 	snop  }
__scs_overlays_trampoline_lowered:
0x8: {  	[smem:$0x3FA7] =	sst s0  }
0x9: {  	[smem:$0x3FA8] =	sst s1  }
0xa: {  	[smem:$0x3FA9] =	sst s2  }
0xb: {  	[smem:$0x3FAA] =	sst s3  }
0xc: {  	[smem:$0x3FAB] =	sst s4  }
0xd: {  	[smem:$0x3FAC] =	sst s5  }
0xe: {  	[smem:$0x3FAD] =	sst s6  }
0xf: {  	[smem:$0x3FAE] =	sst s7  }
0x10: {  	[smem:$0x3FAF] =	sst s8  }
0x11: {  	[smem:$0x3FB0] =	sst s9;
	s0 =	simm.s32 @!p0 $0x0  }
0x12: {  	s1 =	sld [smem:$0x3F96];
	s0 =	simm.s32 @p0 $0x1  }
0x13: {  	[smem:$0x3FB1] =	sst s0;
	s0 =	simm.s32 @!p1 $0x0  }
0x14: {  	s2 =	sld [smem:$0x3F95];
	s0 =	simm.s32 @p1 $0x1  }
0x15: {  	[smem:$0x3FB2] =	sst s0;
	s0 =	simm.s32 @!p2 $0x0  }
0x16: {  	s3 =	sld [smem:$0x3FDB];
	s0 =	simm.s32 @p2 $0x1  }
0x17: {  	s4 =	simm.s32 $0x1BF5;
	[smem:$0x3FB4] =	sst s0  }
0x18: {  	s0 =	sld [smem:$0x3F97];
	_ =	swait.ge [sflag:s4], $0x0  }
0x19: {  	s7 =	sld [smem:$0x3F98]  }
0x1a: {  	s8 =	sadd.s32 $0xFFFFE003, lr  }
0x1b: {  	s9 =	sadd.s32 $0xFFFFFEF7, lr;
	s5 =	simm.s32 $0xFFFFFFFF;
	p2 =	slt.u32 s8, $0xFFFFF086  }
0x1c: {  	p1 =	slt.u32 s9, $0xF7A;
	s5 =	simm.s32 @!p2 $0x0  }
0x1d: {  	s5 =	simm.s32 @p1 $0x1;
	p0 =	seq.s32 s7, s2  }
0x1e: {  	s7 =	smul.u32 @!p0 $0xF7A, s2;
	p2 =	seq.s32 @!p0 s5, $0x0  }
0x1f: {  	s9 =	smul.u32 $0xF7A, s1;
	s8 =	simm.s32 @!p0 $0x1BF5;
	p2 =	por !p2, p0  }
0x20: {  	[sflag:s8] =	ssyncset.s32 @!p0 $0xFFFFF086;
	s6 =	sadd.s32 @!p0 s3, s7;
	s7 =	simm.s32 @!p0 $0x108  }
0x21: {  	s3 =	sadd.s32 s3, s9;
	s6 =	sadd.s32 @!p0 $0x88, s6;
	s7 =	simm.s32 @p2 $0x1082  }
0x22: {  	[simem:s7], [sflag:s8] =	dma.local @!p0 [hbm:s6], $0xF7A  }
0x23: {  	s9 =	sor.u32 $0xD0000000, s2;
	s6 =	simm.s32 $0x108;
	_ =	swait.ge @!p0 [sflag:s8], $0x0  }
0x24: {  	s3 =	sadd.s32 $0x88, s3;
	s6 =	simm.s32 @!p1 $0x1082;
	[sflag:s4] =	ssyncset.s32 $0xFFFFF086  }
0x25: {  	[simem:s6], [sflag:s4] =	dma.local [hbm:s3], $0xF7A  }
0x26: {  	[smem:$0x3F98] =	sst s1;
	(tag) =	ssettag s2;
	_ =	strace s9  }
0x27: {  	s1 =	sld [smem:$0x3FA8]  }
0x28: {  	s2 =	sld [smem:$0x3FA9]  }
0x29: {  	s4 =	sld [smem:$0x3FAB]  }
0x2a: {  	p0 =	seq.s32 s5, $0x0;
	s5 =	sld [smem:$0x3FAC]  }
0x2b: {  	s6 =	sld [smem:$0x3FAD]  }
0x2c: {  	s7 =	sld [smem:$0x3FAE]  }
0x2d: {  	s3 =	simm.s32 $0x108;
	s8 =	sld [smem:$0x3FAF]  }
0x2e: {  	s3 =	simm.s32 @!p0 $0x1082;
	s9 =	sld [smem:$0x3FB0]  }
0x2f: {  	lr =	sadd.s32 s0, s3;
	s0 =	sld [smem:$0x3FA7]  }
0x30: {  	s3 =	sld [smem:$0x3FAA]  }
0x31: {  	[smem:$0x3FB3] =	sst s10  }
0x32: {  	s10 =	sld [smem:$0x3FB1];
	_ =	sdelay $0x3  }
0x33: {  	p0 =	seq.s32 s10, $0x1;
	s10 =	sld [smem:$0x3FB3];
	_ =	sdelay $0x3  }
0x34: {  	[smem:$0x3FB3] =	sst s10  }
0x35: {  	s10 =	sld [smem:$0x3FB2];
	_ =	sdelay $0x3  }
0x36: {  	p1 =	seq.s32 s10, $0x1;
	s10 =	sld [smem:$0x3FB3];
	_ =	sdelay $0x3  }
0x37: {  	[smem:$0x3FB3] =	sst s10  }
0x38: {  	s10 =	sld [smem:$0x3FB4]  }
0x39: {  	_ = 	snop;
	(pc) =	sbr.ind lr, $3  }
0x3a: {  	_ = 	snop  }
0x3b: {  	_ = 	snop  }
0x3c: {  	p2 =	seq.s32 s10, $0x1;
	s10 =	sld [smem:$0x3FB3]  }
0x3d: {  	_ =	shalt  }
0x3e: {  	_ =	shalt  }
0x3f: {  	_ =	shalt  }
0x40: {  	_ =	shalt  }
0x41: {  	_ =	shalt  }
0x42: {  	_ =	shalt  }
0x43: {  	_ =	shalt  }
0x44: {  	_ =	shalt  }
0x45: {  	_ =	shalt  }
0x46: {  	_ =	shalt  }
0x47: {  	_ =	shalt  }
0x48: {  	_ =	shalt  }
0x49: {  	_ =	shalt  }
0x4a: {  	_ =	shalt  }
0x4b: {  	_ =	shalt  }
0x4c: {  	_ =	shalt  }
0x4d: {  	_ =	shalt  }
0x4e: {  	_ =	shalt  }
0x4f: {  	_ =	shalt  }
0x50: {  	_ =	shalt  }
0x51: {  	_ =	shalt  }
0x52: {  	_ =	shalt  }
0x53: {  	_ =	shalt  }
0x54: {  	_ =	shalt  }
0x55: {  	_ =	shalt  }
0x56: {  	_ =	shalt  }
0x57: {  	_ =	shalt  }
0x58: {  	_ =	shalt  }
0x59: {  	_ =	shalt  }
0x5a: {  	_ =	shalt  }
0x5b: {  	_ =	shalt  }
0x5c: {  	_ =	shalt  }
0x5d: {  	_ =	shalt  }
0x5e: {  	_ =	shalt  }
0x5f: {  	_ =	shalt  }
0x60: {  	_ =	shalt  }
0x61: {  	_ =	shalt  }
0x62: {  	_ =	shalt  }
0x63: {  	_ =	shalt  }
0x64: {  	_ =	shalt  }
0x65: {  	_ =	shalt  }
0x66: {  	_ =	shalt  }
0x67: {  	_ =	shalt  }
0x68: {  	_ =	shalt  }
0x69: {  	_ =	shalt  }
0x6a: {  	_ =	shalt  }
0x6b: {  	_ =	shalt  }
0x6c: {  	_ =	shalt  }
0x6d: {  	_ =	shalt  }
0x6e: {  	_ =	shalt  }
0x6f: {  	_ =	shalt  }
0x70: {  	_ =	shalt  }
0x71: {  	_ =	shalt  }
0x72: {  	_ =	shalt  }
0x73: {  	_ =	shalt  }
0x74: {  	_ =	shalt  }
0x75: {  	_ =	shalt  }
0x76: {  	_ =	shalt  }
0x77: {  	_ =	shalt  }
0x78: {  	_ =	shalt  }
0x79: {  	_ =	shalt  }
0x7a: {  	_ =	shalt  }
0x7b: {  	_ =	shalt  }
0x7c: {  	_ =	shalt  }
0x7d: {  	_ =	shalt  }
0x7e: {  	_ =	shalt  }
0x7f: {  	_ =	shalt  }
0x80: {  	_ =	shalt  }
0x81: {  	_ =	shalt  }
0x82: {  	_ =	shalt  }
0x83: {  	_ =	shalt  }
0x84: {  	_ =	shalt  }
0x85: {  	_ =	shalt  }
0x86: {  	_ =	shalt  }
0x87: {  	_ =	shalt  }
.Lfunc_end0:
.L_simem_size_0:
called_computation.1_lowered:
.L_overlay_start_0:
0x88: {  	s2 =	sld [smem:$0x3FD9]  }
0x89: {  	s3 =	sld [smem:$0x3FFE];
	_ =	sdelay $0x1  }
0x8a: {  	s1 =	srdreg.scid  }
0x8b: {  	s0 =	sand.u32 $0x1, s1  }
0x8c: {  	s16 =	sshll.u32 s0, $0xA;
	s2 =	sadd.s32 s3, s2  }
0x8d: {  	s2 =	sadd.s32 s2, s16  }
0x8e: {  	[smem:$0x3FBF] =	sst s2  }
0x8f: {  	_ = 	snop  }
0x90: {  	(tm) =	ssettm $0x1  }
0x91: {  	s17 =	sld [smem:$0x3FFB];
	_ =	sdelay $0x3  }
0x92: {  	_ =	strace s17  }
0x93: {  	s2 =	sld [smem:$0x3FFC];
	_ =	sdelay $0x3  }
0x94: {  	_ =	strace s2  }
0x95: {  	s2 =	sld [smem:$0x3FFD];
	_ =	sdelay $0x3  }
0x96: {  	_ =	strace s2  }
0x97: {  	_ =	strace $0x8FFFFFFF  }
0x98: {  	s18 =	sld [smem:$0x3FDB];
	_ =	sdelay $0x1  }
0x99: {  	s19 =	simm.s32 $_scs_section_size  }
0x9a: {  	s4 =	simm.s32 $_size__tile_overlayer_lowered;
	s5 =	simm.s32 $_tile_overlayer_lowered  }
0x9b: {  	s22 =	simm.s32 $0x1BFF;
	s21 =	sshll.u32 s5, $0x1;
	s2 =	sadd.s32 s19, s18  }
0x9c: {  	s6 =	simm.s32 $0x0;
	s20 =	sshll.u32 s4, $0x1;
	s4 =	sadd.s32 s21, s2  }
0x9d: {  	[timem:s6], [sflag:s22] =	dma.local [hbm:s4], s20  }
0x9e: {  	_ =	swait.ge [sflag:s22], s20  }
0x9f: {  	s3 =	ssub.s32 $0x0, s20;
	[sflag:s22] =	ssyncset.done $0x0  }
0xa0: {  	[sflag:s22] =	ssyncadd.s32 s3;
	_ =	sdelay $0x1  }
0xa1: {  	s23 =	simm.s32 $0x1B8B  }
0xa2: {  	_ =	swait.ge [sflag:s23], $0x1  }
0xa3: {  	[sflag:s23] =	ssyncset.done $0x0  }
0xa4: {  	s25 =	simm.s32 $0x1B8E;
	s24 =	sld [smem:$0x3FFE];
	[sflag:s23] =	ssyncadd.s32 $0xFFFFFFFF  }
0xa5: {  	s26 =	simm.s32 $execute0_lowered;
	[smem:$0x3FD2] =	sst s25  }
0xa6: {  	s4 =	sshll.u32 s26, $0x1;
	_ =	strace $0x80000049;
	[dreg:$0x1] =	wrdreg $0xFFFFFFFF  }
0xa7: {  	s28 =	simm.s32 $_size_execute0_lowered;
	s2 =	sadd.s32 s2, s4;
	[dreg:$0x0] =	wrdreg $0x0  }
0xa8: {  	s4 =	sshll.u32 s28, $0x1;
	[dreg:$0x2] =	wrdreg s2  }
0xa9: {  	[dreg:$0x3] =	wrdreg s4  }
0xaa: {  	[dreg:$0x4] =	wrdreg $0xC0  }
0xab: {  	_ =	task [dreg:s6], $0x5FFFF  }
0xac: {  	[dreg:$0x1] =	wrdreg $0xFFFFFFFF  }
0xad: {  	[dreg:$0x0] =	wrdreg $0x60  }
0xae: {  	[dreg:$0x2] =	wrdreg s24  }
0xaf: {  	[dreg:$0x3] =	wrdreg $0x29000  }
0xb0: {  	[dreg:$0x4] =	wrdreg $0x9  }
0xb1: {  	_ =	task.clear_ibuf [dreg:s6], $0x5FFFF;
	_ =	strace $0x90000049  }
0xb2: {  	s29 =	simm.s32 $0x9;
	_ =	strace $0x8000004B  }
0xb3: {  	_ =	swait.ge [sflag:s29], $0x1  }
0xb4: {  	[sflag:s29] =	ssyncadd.s32 $0xFFFFFFFF  }
0xb5: {  	_ =	strace $0x9000004B  }
0xb6: {  	_ =	sfence  }
0xb7: {  	s30 =	sld [smem:$0x0];
	_ =	sdelay $0x2  }
0xb8: {  	s31 =	sshll.u32 s1, $0xD;
	s1 =	sshrl.u32 s1, $0x2  }
0xb9: {  	s3 =	sand.u32 $0x4000, s31;
	s1 =	sadd.s32 s1, s30  }
0xba: {  	s0 =	sor.u32 s3, s0;
	s1 =	sshll.u32 s1, $0x11  }
0xbb: {  	s0 =	sor.u32 s1, s0  }
0xbc: {  	s0 =	sadd.s32 $0x8F2B, s0  }
0xbd: {  	[sflag:s0] =	ssyncadd.remote.s32 $0x1  }
0xbe: {  	_ =	sfence.sel $0xFFFF  }
0xbf: {  	[dreg:$0x0] =	wrdreg $0xFFFFFFFF;
	(pc) =	sbr.abs _section_cstart, $3  }
0xc0: {  	[dreg:$0x1] =	wrdreg $0xFFFFFFFF  }
0xc1: {  	_ =	task.clear_ibuf [dreg:s6], $0x2FFFF;
	_ =	strace $0x9FFFFFFF  }
0xc2: {  	(tm) =	ssettm $0x7FFFFFFF  }
0xc3: {  	_ =	shalt  }
tec
execute0_lowered:
.L_overlay_start_1:
0x0: {  	(tag) =	ssettag $0x1  }
0x1: {  	s0 =	srdreg.scid;
	s20 =	stileid.u32  }
0x2: {  	s1 =	rddreg [dreg:$0x0];
	s4 =	smul.u32 $0x2710, s20  }
0x3: {  	s2 =	rddreg [dreg:$0x1];
	s0 =	sand.u32 $0x1, s0;
	s25 =	smul.u32 $0xA000, s20  }
0x4: {  	s3 =	simm.s32 $0x0;
	s10 =	sor.u32 $0x10, s20;
	s5 =	smul.u32 $0x27100, s0  }
0x5: {  	s28 =	simm.s32 $0x80;
	s11 =	sor.u32 $0x20, s20;
	s8 =	smul.u32 $0xA000, s10  }
0x6: {  	s29 =	simm.s32 $0x50;
	s12 =	sor.u32 $0x30, s20;
	s9 =	smul.u32 $0xA000, s11  }
0x7: {  	s30 =	simm.s32 $0x1;
	s14 =	sor.u32 $0x40, s20;
	s13 =	smul.u32 $0xA000, s12  }
0x8: {  	s31 =	simm.s32 $0x3;
	s17 =	sor.u32 $0x60, s20;
	s15 =	smul.u32 $0xA000, s14  }
0x9: {  	[smem:$0x7FF] =	sst s3;
	s23 =	sadd.s32 $0x17C00, s1;
	s18 =	smul.u32 $0xA000, s17  }
0xa: {  	s16 =	sor.u32 $0x50, s20;
	_ =	strace $0x8000004A;
	s21 =	smul.u32 $0x500, s10  }
0xb: {  	[dreg:$0x3] =	wrdreg s23;
	s0 =	ssub.s32 $0x2, s0;
	s22 =	smul.u32 $0x500, s11  }
0xc: {  	s23 =	smul.u32 $0x500, s14;
	s26 =	sshrl.u32 s0, $0x1;
	s4 =	sadd.s32 s4, s5  }
0xd: {  	s0 =	ssub.s32 s0, s26;
	s8 =	sshrl.u32 s8, $0x2;
	s9 =	sshrl.u32 s9, $0x2  }
0xe: {  	s13 =	sshrl.u32 s13, $0x2;
	s15 =	sshrl.u32 s15, $0x2;
	s18 =	sshrl.u32 s18, $0x2  }
0xf: {  	s26 =	smul.u32 $0x500, s16;
	s6 =	sshrl.u32 s4, $0x3;
	s4 =	sadd.s32 $0x18200, s1  }
0x10: {  	s0 =	smax.u32 s0, $0x1;
	s8 =	sadd.s32 s8, s2;
	s9 =	sadd.s32 s9, s2  }
0x11: {  	s24 =	sadd.s32 s6, s1;
	s1 =	sadd.s32 s5, s1;
	s6 =	smul.u32 $0xA000, s16  }
0x12: {  	s5 =	sshrl.u32 s25, $0x2;
	s25 =	sor.u32 $0x70, s20;
	s20 =	smul.u32 $0x500, s20  }
0x13: {  	s10 =	sadd.s32 s13, s2;
	s11 =	sadd.s32 s15, s2;
	s19 =	smul.u32 $0xA000, s25  }
0x14: {  	s13 =	sadd.s32 s18, s2;
	s7 =	sadd.s32 s5, s2;
	s5 =	smul.u32 $0x500, s12  }
0x15: {  	[dreg:$0x4] =	wrdreg s0;
	s1 =	sadd.s32 $0x66600, s1;
	s16 =	smul.u32 $0x500, s25  }
0x16: {  	p0 =	sgt.u32 s25, $0x7C;
	s25 =	simm.s32 $0x100;
	s0 =	sshrl.u32 s6, $0x2  }
0x17: {  	s6 =	sadd.s32 s1, s20;
	s15 =	sadd.s32 s1, s21;
	s20 =	sadd.s32 s1, s26  }
0x18: {  	s26 =	simm.s32 $0x2;
	s12 =	sadd.s32 s0, s2;
	[dreg:$0x5] =	wrdreg s6  }
0x19: {  	s19 =	sshrl.u32 s19, $0x2;
	s0 =	smul.u32 $0x500, s17;
	[dreg:$0x6] =	wrdreg s15  }
0x1a: {  	s17 =	sadd.s32 s1, s22;
	s18 =	sadd.s32 s1, s5;
	s22 =	sadd.s32 s1, s16  }
0x1b: {  	s14 =	sadd.s32 s19, s2;
	s19 =	sadd.s32 s1, s23;
	s23 =	sadd.s32 $0xDE00, s24  }
0x1c: {  	s24 =	sadd.s32 $0x4000, s24;
	s21 =	sadd.s32 s1, s0;
	s1 =	simm.s32 $0x0  }
.LBB2_1:
0x1d: {  	s0 =	rddreg [dreg:$0x3]  }
0x1e: {  	[tilespmem:s25], [sflag:$0x2] =	stream.linear.gather [hbm4b:s0+s3], $0x2800, $0x38;
	[tilespmem:$0x16180] =	vst v63  }
0x1f: {  	_ =	swait.ge [sflag:s26], $0x2800  }
0x20: {  	[sflag:s26] =	ssyncset.done $0x0  }
0x21: {  	[sflag:s26] =	ssyncadd.s32 $0xFFFFD800  }
0x22: {  	[spmem:s7] =	stream.linear.scatter [tilespmem:s25], [sflag:$0x2], $0x2800, $0x38;
	[tilespmem:$0x16180] =	vst v63  }
0x23: {  	_ =	swait.ge [sflag:s26], $0x2800  }
0x24: {  	[sflag:s26] =	ssyncset.done $0x0  }
0x25: {  	[sflag:s26] =	ssyncadd.s32 $0xFFFFD800  }
0x26: {  	[spmem:s8] =	stream.linear.scatter [tilespmem:s25], [sflag:$0x2], $0x2800, $0x38;
	[tilespmem:$0x16180] =	vst v63  }
0x27: {  	_ =	swait.ge [sflag:s26], $0x2800  }
0x28: {  	[sflag:s26] =	ssyncset.done $0x0  }
0x29: {  	[sflag:s26] =	ssyncadd.s32 $0xFFFFD800  }
0x2a: {  	[spmem:s9] =	stream.linear.scatter [tilespmem:s25], [sflag:$0x2], $0x2800, $0x38;
	[tilespmem:$0x16180] =	vst v63  }
0x2b: {  	_ =	swait.ge [sflag:s26], $0x2800  }
0x2c: {  	[sflag:s26] =	ssyncset.done $0x0  }
0x2d: {  	[sflag:s26] =	ssyncadd.s32 $0xFFFFD800  }
0x2e: {  	[spmem:s10] =	stream.linear.scatter [tilespmem:s25], [sflag:$0x2], $0x2800, $0x38;
	[tilespmem:$0x16180] =	vst v63  }
0x2f: {  	_ =	swait.ge [sflag:s26], $0x2800  }
0x30: {  	[sflag:s26] =	ssyncset.done $0x0  }
0x31: {  	[sflag:s26] =	ssyncadd.s32 $0xFFFFD800  }
0x32: {  	[spmem:s11] =	stream.linear.scatter [tilespmem:s25], [sflag:$0x2], $0x2800, $0x38;
	[tilespmem:$0x16180] =	vst v63  }
0x33: {  	_ =	swait.ge [sflag:s26], $0x2800  }
0x34: {  	[sflag:s26] =	ssyncset.done $0x0  }
0x35: {  	[sflag:s26] =	ssyncadd.s32 $0xFFFFD800  }
0x36: {  	[spmem:s12] =	stream.linear.scatter [tilespmem:s25], [sflag:$0x2], $0x2800, $0x38;
	[tilespmem:$0x16180] =	vst v63  }
0x37: {  	_ =	swait.ge [sflag:s26], $0x2800  }
0x38: {  	[sflag:s26] =	ssyncset.done $0x0  }
0x39: {  	[sflag:s26] =	ssyncadd.s32 $0xFFFFD800  }
0x3a: {  	[spmem:s13] =	stream.linear.scatter [tilespmem:s25], [sflag:$0x2], $0x2800, $0x38;
	[tilespmem:$0x16180] =	vst v63  }
0x3b: {  	_ =	swait.ge [sflag:s26], $0x2800  }
0x3c: {  	[sflag:s26] =	ssyncset.done $0x0  }
0x3d: {  	s0 =	simm.s32 @!p0 $0x100;
	[sflag:s26] =	ssyncadd.s32 $0xFFFFD800  }
0x3e: {  	[spmem:s14] =	stream.linear.scatter @!p0 [tilespmem:s0], [sflag:$0x2], $0x2800, $0x38;
	[tilespmem:$0x16180] =	vst v63  }
0x3f: {  	s0 =	simm.s32 @!p0 $0x2  }
0x40: {  	_ =	swait.ge @!p0 [sflag:s0], $0x2800  }
0x41: {  	[sflag:s0] =	ssyncset.done @!p0 $0x0  }
0x42: {  	[sflag:s0] =	ssyncadd.s32 @!p0 $0xFFFFD800  }
0x43: {  	s15 =	sadd.s32 $0x0, s24;
	[bflag:$0x0] =	sbarrier.arrive $0xFFFF  }
0x44: {  	[tilespmem:s3], [sflag:$0x2] =	stream.linear.gather [hbm4b:s15+s3], $0x50, $0x38;
	[tilespmem:$0x16180] =	vst v63  }
0x45: {  	_ =	swait.ge [sflag:s26], $0x50  }
0x46: {  	[sflag:s26] =	ssyncset.done $0x0  }
0x47: {  	s16 =	sadd.s32 $0x0, s23;
	[sflag:s26] =	ssyncadd.s32 $0xFFFFFFB0  }
0x48: {  	[tilespmem:s28], [sflag:$0x2] =	stream.linear.gather [hbm4b:s16+s3], $0x50, $0x38;
	[tilespmem:$0x16180] =	vst v63  }
0x49: {  	_ =	swait.ge [sflag:s26], $0x50  }
0x4a: {  	[sflag:s26] =	ssyncset.done $0x0  }
0x4b: {  	[sflag:s26] =	ssyncadd.s32 $0xFFFFFFB0  }
0x4c: {  	[tilespmem:s25], [sflag:$0x1] =	stream.indirect.gather [hbm4b:s4+s29], $0x80, s3, s29, $0xb8;
	[tilespmem:$0x16180] =	vst v63  }
0x4d: {  	_ =	swait.ge [sflag:s30], $0x2800  }
0x4e: {  	[sflag:s30] =	ssyncset.done $0x0  }
0x4f: {  	[sflag:s30] =	ssyncadd.s32 $0xFFFFD800  }
0x50: {  	[spmem:s2] =	stream.indirect.scatter.add.f32 [tilespmem:s25], [sflag:$0x2], $0x80, s28, s29, $0xb8;
	[tilespmem:$0x16180] =	vst v63  }
0x51: {  	_ =	swait.ge [sflag:s26], $0x2800  }
0x52: {  	s5 =	simm.s32 $0x14;
	s0 =	simm.s32 $0xA;
	[sflag:s26] =	ssyncset.done $0x0  }
.LBB2_2:
0x53: {  	s6 =	sadd.s32 s0, s24  }
0x54: {  	[sflag:s26] =	ssyncadd.s32 $0xFFFFD800;
	s15 =	smov.u32 s5;
	s16 =	sadd.s32 $0xA, s5  }
0x55: {  	[tilespmem:s3], [sflag:$0x2] =	stream.linear.gather [hbm4b:s6+s3], $0x50, $0x38;
	[tilespmem:$0x16180] =	vst v63  }
0x56: {  	p1 =	sne.s32 s5, $0x4D8;
	_ =	swait.ge [sflag:s26], $0x50  }
0x57: {  	[sflag:s26] =	ssyncset.done $0x0  }
0x58: {  	s5 =	sadd.s32 s0, s23;
	s0 =	smov.u32 s15;
	[sflag:s26] =	ssyncadd.s32 $0xFFFFFFB0  }
0x59: {  	[tilespmem:s28], [sflag:$0x2] =	stream.linear.gather [hbm4b:s5+s3], $0x50, $0x38;
	[tilespmem:$0x16180] =	vst v63  }
0x5a: {  	_ =	swait.ge [sflag:s26], $0x50  }
0x5b: {  	[sflag:s26] =	ssyncset.done $0x0  }
0x5c: {  	[sflag:s26] =	ssyncadd.s32 $0xFFFFFFB0  }
0x5d: {  	[tilespmem:s25], [sflag:$0x1] =	stream.indirect.gather [hbm4b:s4+s29], $0x80, s3, s29, $0xb8;
	[tilespmem:$0x16180] =	vst v63  }
0x5e: {  	_ =	swait.ge [sflag:s30], $0x2800  }
.Ltmp0:
0x5f: {  	[sflag:s30] =	ssyncset.done $0x0;
	(pc) =	sbr.rel @p1 .LBB2_2-.Ltmp0, $4  }
0x60: {  	[sflag:s30] =	ssyncadd.s32 $0xFFFFD800  }
0x61: {  	[spmem:s2] =	stream.indirect.scatter.add.f32 [tilespmem:s25], [sflag:$0x2], $0x80, s28, s29, $0xb8;
	[tilespmem:$0x16180] =	vst v63  }
0x62: {  	_ =	swait.ge [sflag:s26], $0x2800  }
0x63: {  	s5 =	smov.u32 s16;
	[sflag:s26] =	ssyncset.done $0x0  }
0x64: {  	s5 =	sadd.s32 s0, s24;
	[sflag:s26] =	ssyncadd.s32 $0xFFFFD800  }
0x65: {  	[tilespmem:s3], [sflag:$0x2] =	stream.linear.gather [hbm4b:s5+s3], $0x50, $0x38;
	[tilespmem:$0x16180] =	vst v63  }
0x66: {  	_ =	swait.ge [sflag:s26], $0x50  }
0x67: {  	[sflag:s26] =	ssyncset.done $0x0  }
0x68: {  	s5 =	sadd.s32 s0, s23;
	[sflag:s26] =	ssyncadd.s32 $0xFFFFFFB0  }
0x69: {  	[tilespmem:s28], [sflag:$0x2] =	stream.linear.gather [hbm4b:s5+s3], $0x50, $0x38;
	[tilespmem:$0x16180] =	vst v63  }
0x6a: {  	_ =	swait.ge [sflag:s26], $0x50  }
0x6b: {  	[sflag:s26] =	ssyncset.done $0x0  }
0x6c: {  	[sflag:s26] =	ssyncadd.s32 $0xFFFFFFB0  }
0x6d: {  	[tilespmem:s25], [sflag:$0x1] =	stream.indirect.gather [hbm4b:s4+s29], $0x80, s3, s29, $0xb8;
	[tilespmem:$0x16180] =	vst v63  }
0x6e: {  	_ =	swait.ge [sflag:s30], $0x2800  }
0x6f: {  	[sflag:s30] =	ssyncset.done $0x0  }
0x70: {  	[sflag:s30] =	ssyncadd.s32 $0xFFFFD800  }
0x71: {  	[spmem:s2] =	stream.indirect.scatter.add.f32 [tilespmem:s25], [sflag:$0x2], $0x80, s28, s29, $0xb8;
	[tilespmem:$0x16180] =	vst v63  }
0x72: {  	_ =	swait.ge [sflag:s26], $0x2800  }
0x73: {  	[sflag:s26] =	ssyncset.done $0x0  }
0x74: {  	[sflag:s26] =	ssyncadd.s32 $0xFFFFD800  }
0x75: {  	[bflag:$0x0] =	sbarrier.arrive $0xFFFF  }
0x76: {  	[tilespmem:s25], [sflag:$0x3] =	stream.linear.gather [spmem:s7], $0x2800, $0x38;
	[tilespmem:$0x16180] =	vst v63  }
0x77: {  	_ =	swait.ge [sflag:s31], $0x2800  }
0x78: {  	[sflag:s31] =	ssyncset.done $0x0  }
0x79: {  	s6 =	rddreg [dreg:$0x5];
	[sflag:s31] =	ssyncadd.s32 $0xFFFFD800  }
0x7a: {  	[hbm4b:s6+s3] =	stream.linear.scatter [tilespmem:s25], [sflag:$0x2], $0x2800, $0x38;
	[tilespmem:$0x16180] =	vst v63  }
0x7b: {  	_ =	swait.ge [sflag:s26], $0x2800  }
0x7c: {  	[sflag:s26] =	ssyncset.done $0x0  }
0x7d: {  	[sflag:s26] =	ssyncadd.s32 $0xFFFFD800  }
0x7e: {  	[tilespmem:s25], [sflag:$0x3] =	stream.linear.gather [spmem:s8], $0x2800, $0x38;
	[tilespmem:$0x16180] =	vst v63  }
0x7f: {  	_ =	swait.ge [sflag:s31], $0x2800  }
0x80: {  	[sflag:s31] =	ssyncset.done $0x0  }
0x81: {  	s15 =	rddreg [dreg:$0x6];
	[sflag:s31] =	ssyncadd.s32 $0xFFFFD800  }
0x82: {  	[hbm4b:s15+s3] =	stream.linear.scatter [tilespmem:s25], [sflag:$0x2], $0x2800, $0x38;
	[tilespmem:$0x16180] =	vst v63  }
0x83: {  	_ =	swait.ge [sflag:s26], $0x2800  }
0x84: {  	[sflag:s26] =	ssyncset.done $0x0  }
0x85: {  	[sflag:s26] =	ssyncadd.s32 $0xFFFFD800  }
0x86: {  	[tilespmem:s25], [sflag:$0x3] =	stream.linear.gather [spmem:s9], $0x2800, $0x38;
	[tilespmem:$0x16180] =	vst v63  }
0x87: {  	_ =	swait.ge [sflag:s31], $0x2800  }
0x88: {  	[sflag:s31] =	ssyncset.done $0x0  }
0x89: {  	[sflag:s31] =	ssyncadd.s32 $0xFFFFD800  }
0x8a: {  	[hbm4b:s17+s3] =	stream.linear.scatter [tilespmem:s25], [sflag:$0x2], $0x2800, $0x38;
	[tilespmem:$0x16180] =	vst v63  }
0x8b: {  	_ =	swait.ge [sflag:s26], $0x2800  }
0x8c: {  	[sflag:s26] =	ssyncset.done $0x0  }
0x8d: {  	[sflag:s26] =	ssyncadd.s32 $0xFFFFD800  }
0x8e: {  	[tilespmem:s25], [sflag:$0x3] =	stream.linear.gather [spmem:s10], $0x2800, $0x38;
	[tilespmem:$0x16180] =	vst v63  }
0x8f: {  	_ =	swait.ge [sflag:s31], $0x2800  }
0x90: {  	[sflag:s31] =	ssyncset.done $0x0  }
0x91: {  	[sflag:s31] =	ssyncadd.s32 $0xFFFFD800  }
0x92: {  	[hbm4b:s18+s3] =	stream.linear.scatter [tilespmem:s25], [sflag:$0x2], $0x2800, $0x38;
	[tilespmem:$0x16180] =	vst v63  }
0x93: {  	_ =	swait.ge [sflag:s26], $0x2800  }
0x94: {  	[sflag:s26] =	ssyncset.done $0x0  }
0x95: {  	[sflag:s26] =	ssyncadd.s32 $0xFFFFD800  }
0x96: {  	[tilespmem:s25], [sflag:$0x3] =	stream.linear.gather [spmem:s11], $0x2800, $0x38;
	[tilespmem:$0x16180] =	vst v63  }
0x97: {  	_ =	swait.ge [sflag:s31], $0x2800  }
0x98: {  	[sflag:s31] =	ssyncset.done $0x0  }
0x99: {  	[sflag:s31] =	ssyncadd.s32 $0xFFFFD800  }
0x9a: {  	[hbm4b:s19+s3] =	stream.linear.scatter [tilespmem:s25], [sflag:$0x2], $0x2800, $0x38;
	[tilespmem:$0x16180] =	vst v63  }
0x9b: {  	_ =	swait.ge [sflag:s26], $0x2800  }
0x9c: {  	[sflag:s26] =	ssyncset.done $0x0  }
0x9d: {  	[sflag:s26] =	ssyncadd.s32 $0xFFFFD800  }
0x9e: {  	[tilespmem:s25], [sflag:$0x3] =	stream.linear.gather [spmem:s12], $0x2800, $0x38;
	[tilespmem:$0x16180] =	vst v63  }
0x9f: {  	_ =	swait.ge [sflag:s31], $0x2800  }
0xa0: {  	[sflag:s31] =	ssyncset.done $0x0  }
0xa1: {  	[sflag:s31] =	ssyncadd.s32 $0xFFFFD800  }
0xa2: {  	[hbm4b:s20+s3] =	stream.linear.scatter [tilespmem:s25], [sflag:$0x2], $0x2800, $0x38;
	[tilespmem:$0x16180] =	vst v63  }
0xa3: {  	_ =	swait.ge [sflag:s26], $0x2800  }
0xa4: {  	[sflag:s26] =	ssyncset.done $0x0  }
0xa5: {  	[sflag:s26] =	ssyncadd.s32 $0xFFFFD800  }
0xa6: {  	[tilespmem:s25], [sflag:$0x3] =	stream.linear.gather [spmem:s13], $0x2800, $0x38;
	[tilespmem:$0x16180] =	vst v63  }
0xa7: {  	_ =	swait.ge [sflag:s31], $0x2800  }
0xa8: {  	[sflag:s31] =	ssyncset.done $0x0  }
0xa9: {  	[sflag:s31] =	ssyncadd.s32 $0xFFFFD800  }
0xaa: {  	[hbm4b:s21+s3] =	stream.linear.scatter [tilespmem:s25], [sflag:$0x2], $0x2800, $0x38;
	[tilespmem:$0x16180] =	vst v63  }
0xab: {  	_ =	swait.ge [sflag:s26], $0x2800  }
0xac: {  	[sflag:s26] =	ssyncset.done $0x0  }
0xad: {  	s0 =	simm.s32 @!p0 $0x100;
	s5 =	simm.s32 @!p0 $0x3;
	[sflag:s26] =	ssyncadd.s32 $0xFFFFD800  }
0xae: {  	[tilespmem:s0], [sflag:$0x3] =	stream.linear.gather @!p0 [spmem:s14], $0x2800, $0x38;
	[tilespmem:$0x16180] =	vst v63  }
0xaf: {  	_ =	swait.ge @!p0 [sflag:s5], $0x2800  }
0xb0: {  	[sflag:s5] =	ssyncset.done @!p0 $0x0  }
0xb1: {  	[sflag:s5] =	ssyncadd.s32 @!p0 $0xFFFFD800;
	s5 =	simm.s32 @!p0 $0x0  }
0xb2: {  	[hbm4b:s22+s5] =	stream.linear.scatter @!p0 [tilespmem:s0], [sflag:$0x2], $0x2800, $0x38;
	[tilespmem:$0x16180] =	vst v63  }
0xb3: {  	s0 =	simm.s32 @!p0 $0x2  }
0xb4: {  	_ =	swait.ge @!p0 [sflag:s0], $0x2800  }
0xb5: {  	s1 =	sadd.s32 $0x1, s1;
	s16 =	rddreg [dreg:$0x4]  }
0xb6: {  	p1 =	sne.s32 s1, s16  }
.Ltmp1:
0xb7: {  	_ = 	snop;
	(pc) =	sbr.rel @p1 .LBB2_1-.Ltmp1, $3  }
0xb8: {  	_ =	sdelay $0x1  }
0xb9: {  	[sflag:s0] =	ssyncset.done @!p0 $0x0  }
0xba: {  	[sflag:s0] =	ssyncadd.s32 @!p0 $0xFFFFD800  }
0xbb: {  	_ =	sfence.sel $0x180000  }
0xbc: {  	[bflag:$0x0] =	sbarrier.arrive $0xFFFF  }
0xbd: {  	_ =	strace $0x9000004A  }
0xbe: {  	s0 =	stileid.u32;
	[bflag:$0x2] =	sbarrier.arrive $0xFFFF  }
0xbf: {  	p0 =	sne.s32 s0, $0x0;
	s0 =	rddreg [dreg:$0x2]  }
0xc0: {  	s0 =	sadd.s32 @!p0 $0x100000, s0  }
0xc1: {  	[sflag:s0] =	ssyncadd.tile.s32 @!p0 $0x1;
	_ =	shalt  }
.Lfunc_end2:
_tile_overlayer_lowered:
.L_overlay_start_2:
0xc2: {  	(tag) =	ssettag $0x2  }
0xc3: {  	s0 =	rddreg [dreg:$0x0];
	s2 =	stileid.u32  }
0xc4: {  	s1 =	rddreg [dreg:$0x1];
	p0 =	sne.s32 s2, $0x0  }
0xc5: {  	s3 =	rddreg [dreg:$0x2];
	[bflag:$0x3] =	sbarrier.arrive $0xFFFF;
	s2 =	simm.s32 @!p0 $0x1C02  }
0xc6: {  	[timem:s3], [sflag:s2] =	dma.local @!p0 [hbm:s0], s1  }
0xc7: {  	s0 =	simm.s32 @!p0 $0x2  }
0xc8: {  	_ =	swait.ge @!p0 [sflag:s0], s1  }
0xc9: {  	s1 =	ssub.s32 @!p0 $0x0, s1;
	[sflag:s0] =	ssyncset.done @!p0 $0x0  }
0xca: {  	[sflag:s0] =	ssyncadd.s32 @!p0 s1  }
0xcb: {  	[bflag:$0x3] =	sbarrier.arrive $0xFFFF  }
0xcc: {  	_ =	shalt  }

// kernel: kernel.14.cloned.1.call-start
scs
__scs_entry_jumppad:
0x0: {  	(pc) =	sbr.rel $0x88, $3  }
0x1: {  	(tag) =	ssettag $0x0;
	lr =	simm.s32 $0x1  }
0x2: {  	[smem:$0x3F98] =	sst lr;
	_ =	strace $0xD0000000  }
0x3: {  	_ = 	snop  }
0x4: {  	_ = 	snop  }
0x5: {  	_ = 	snop  }
0x6: {  	_ = 	snop  }
0x7: {  	_ = 	snop  }
__scs_overlays_trampoline_lowered:
0x8: {  	[smem:$0x3FA7] =	sst s0  }
0x9: {  	[smem:$0x3FA8] =	sst s1  }
0xa: {  	[smem:$0x3FA9] =	sst s2  }
0xb: {  	[smem:$0x3FAA] =	sst s3  }
0xc: {  	[smem:$0x3FAB] =	sst s4  }
0xd: {  	[smem:$0x3FAC] =	sst s5  }
0xe: {  	[smem:$0x3FAD] =	sst s6  }
0xf: {  	[smem:$0x3FAE] =	sst s7  }
0x10: {  	[smem:$0x3FAF] =	sst s8  }
0x11: {  	[smem:$0x3FB0] =	sst s9;
	s0 =	simm.s32 @!p0 $0x0  }
0x12: {  	s1 =	sld [smem:$0x3F96];
	s0 =	simm.s32 @p0 $0x1  }
0x13: {  	[smem:$0x3FB1] =	sst s0;
	s0 =	simm.s32 @!p1 $0x0  }
0x14: {  	s2 =	sld [smem:$0x3F95];
	s0 =	simm.s32 @p1 $0x1  }
0x15: {  	[smem:$0x3FB2] =	sst s0;
	s0 =	simm.s32 @!p2 $0x0  }
0x16: {  	s3 =	sld [smem:$0x3FDB];
	s0 =	simm.s32 @p2 $0x1  }
0x17: {  	s4 =	simm.s32 $0x1BF5;
	[smem:$0x3FB4] =	sst s0  }
0x18: {  	s0 =	sld [smem:$0x3F97];
	_ =	swait.ge [sflag:s4], $0x0  }
0x19: {  	s7 =	sld [smem:$0x3F98]  }
0x1a: {  	s8 =	sadd.s32 $0xFFFFE003, lr  }
0x1b: {  	s9 =	sadd.s32 $0xFFFFFEF7, lr;
	s5 =	simm.s32 $0xFFFFFFFF;
	p2 =	slt.u32 s8, $0xFFFFF086  }
0x1c: {  	p1 =	slt.u32 s9, $0xF7A;
	s5 =	simm.s32 @!p2 $0x0  }
0x1d: {  	s5 =	simm.s32 @p1 $0x1;
	p0 =	seq.s32 s7, s2  }
0x1e: {  	s7 =	smul.u32 @!p0 $0xF7A, s2;
	p2 =	seq.s32 @!p0 s5, $0x0  }
0x1f: {  	s9 =	smul.u32 $0xF7A, s1;
	s8 =	simm.s32 @!p0 $0x1BF5;
	p2 =	por !p2, p0  }
0x20: {  	[sflag:s8] =	ssyncset.s32 @!p0 $0xFFFFF086;
	s6 =	sadd.s32 @!p0 s3, s7;
	s7 =	simm.s32 @!p0 $0x108  }
0x21: {  	s3 =	sadd.s32 s3, s9;
	s6 =	sadd.s32 @!p0 $0x88, s6;
	s7 =	simm.s32 @p2 $0x1082  }
0x22: {  	[simem:s7], [sflag:s8] =	dma.local @!p0 [hbm:s6], $0xF7A  }
0x23: {  	s9 =	sor.u32 $0xD0000000, s2;
	s6 =	simm.s32 $0x108;
	_ =	swait.ge @!p0 [sflag:s8], $0x0  }
0x24: {  	s3 =	sadd.s32 $0x88, s3;
	s6 =	simm.s32 @!p1 $0x1082;
	[sflag:s4] =	ssyncset.s32 $0xFFFFF086  }
0x25: {  	[simem:s6], [sflag:s4] =	dma.local [hbm:s3], $0xF7A  }
0x26: {  	[smem:$0x3F98] =	sst s1;
	(tag) =	ssettag s2;
	_ =	strace s9  }
0x27: {  	s1 =	sld [smem:$0x3FA8]  }
0x28: {  	s2 =	sld [smem:$0x3FA9]  }
0x29: {  	s4 =	sld [smem:$0x3FAB]  }
0x2a: {  	p0 =	seq.s32 s5, $0x0;
	s5 =	sld [smem:$0x3FAC]  }
0x2b: {  	s6 =	sld [smem:$0x3FAD]  }
0x2c: {  	s7 =	sld [smem:$0x3FAE]  }
0x2d: {  	s3 =	simm.s32 $0x108;
	s8 =	sld [smem:$0x3FAF]  }
0x2e: {  	s3 =	simm.s32 @!p0 $0x1082;
	s9 =	sld [smem:$0x3FB0]  }
0x2f: {  	lr =	sadd.s32 s0, s3;
	s0 =	sld [smem:$0x3FA7]  }
0x30: {  	s3 =	sld [smem:$0x3FAA]  }
0x31: {  	[smem:$0x3FB3] =	sst s10  }
0x32: {  	s10 =	sld [smem:$0x3FB1];
	_ =	sdelay $0x3  }
0x33: {  	p0 =	seq.s32 s10, $0x1;
	s10 =	sld [smem:$0x3FB3];
	_ =	sdelay $0x3  }
0x34: {  	[smem:$0x3FB3] =	sst s10  }
0x35: {  	s10 =	sld [smem:$0x3FB2];
	_ =	sdelay $0x3  }
0x36: {  	p1 =	seq.s32 s10, $0x1;
	s10 =	sld [smem:$0x3FB3];
	_ =	sdelay $0x3  }
0x37: {  	[smem:$0x3FB3] =	sst s10  }
0x38: {  	s10 =	sld [smem:$0x3FB4]  }
0x39: {  	_ = 	snop;
	(pc) =	sbr.ind lr, $3  }
0x3a: {  	_ = 	snop  }
0x3b: {  	_ = 	snop  }
0x3c: {  	p2 =	seq.s32 s10, $0x1;
	s10 =	sld [smem:$0x3FB3]  }
0x3d: {  	_ =	shalt  }
0x3e: {  	_ =	shalt  }
0x3f: {  	_ =	shalt  }
0x40: {  	_ =	shalt  }
0x41: {  	_ =	shalt  }
0x42: {  	_ =	shalt  }
0x43: {  	_ =	shalt  }
0x44: {  	_ =	shalt  }
0x45: {  	_ =	shalt  }
0x46: {  	_ =	shalt  }
0x47: {  	_ =	shalt  }
0x48: {  	_ =	shalt  }
0x49: {  	_ =	shalt  }
0x4a: {  	_ =	shalt  }
0x4b: {  	_ =	shalt  }
0x4c: {  	_ =	shalt  }
0x4d: {  	_ =	shalt  }
0x4e: {  	_ =	shalt  }
0x4f: {  	_ =	shalt  }
0x50: {  	_ =	shalt  }
0x51: {  	_ =	shalt  }
0x52: {  	_ =	shalt  }
0x53: {  	_ =	shalt  }
0x54: {  	_ =	shalt  }
0x55: {  	_ =	shalt  }
0x56: {  	_ =	shalt  }
0x57: {  	_ =	shalt  }
0x58: {  	_ =	shalt  }
0x59: {  	_ =	shalt  }
0x5a: {  	_ =	shalt  }
0x5b: {  	_ =	shalt  }
0x5c: {  	_ =	shalt  }
0x5d: {  	_ =	shalt  }
0x5e: {  	_ =	shalt  }
0x5f: {  	_ =	shalt  }
0x60: {  	_ =	shalt  }
0x61: {  	_ =	shalt  }
0x62: {  	_ =	shalt  }
0x63: {  	_ =	shalt  }
0x64: {  	_ =	shalt  }
0x65: {  	_ =	shalt  }
0x66: {  	_ =	shalt  }
0x67: {  	_ =	shalt  }
0x68: {  	_ =	shalt  }
0x69: {  	_ =	shalt  }
0x6a: {  	_ =	shalt  }
0x6b: {  	_ =	shalt  }
0x6c: {  	_ =	shalt  }
0x6d: {  	_ =	shalt  }
0x6e: {  	_ =	shalt  }
0x6f: {  	_ =	shalt  }
0x70: {  	_ =	shalt  }
0x71: {  	_ =	shalt  }
0x72: {  	_ =	shalt  }
0x73: {  	_ =	shalt  }
0x74: {  	_ =	shalt  }
0x75: {  	_ =	shalt  }
0x76: {  	_ =	shalt  }
0x77: {  	_ =	shalt  }
0x78: {  	_ =	shalt  }
0x79: {  	_ =	shalt  }
0x7a: {  	_ =	shalt  }
0x7b: {  	_ =	shalt  }
0x7c: {  	_ =	shalt  }
0x7d: {  	_ =	shalt  }
0x7e: {  	_ =	shalt  }
0x7f: {  	_ =	shalt  }
0x80: {  	_ =	shalt  }
0x81: {  	_ =	shalt  }
0x82: {  	_ =	shalt  }
0x83: {  	_ =	shalt  }
0x84: {  	_ =	shalt  }
0x85: {  	_ =	shalt  }
0x86: {  	_ =	shalt  }
0x87: {  	_ =	shalt  }
.Lfunc_end0:
.L_simem_size_0:
called_computation.2_lowered:
.L_overlay_start_0:
0x88: {  	s2 =	sld [smem:$0x3FD9]  }
0x89: {  	s3 =	sld [smem:$0x3FFE];
	_ =	sdelay $0x1  }
0x8a: {  	s1 =	srdreg.scid  }
0x8b: {  	s0 =	sand.u32 $0x1, s1  }
0x8c: {  	s16 =	sshll.u32 s0, $0xA;
	s2 =	sadd.s32 s3, s2  }
0x8d: {  	s2 =	sadd.s32 s2, s16  }
0x8e: {  	[smem:$0x3FBF] =	sst s2  }
0x8f: {  	_ = 	snop  }
0x90: {  	(tm) =	ssettm $0x1  }
0x91: {  	s17 =	sld [smem:$0x3FFB];
	_ =	sdelay $0x3  }
0x92: {  	_ =	strace s17  }
0x93: {  	s2 =	sld [smem:$0x3FFC];
	_ =	sdelay $0x3  }
0x94: {  	_ =	strace s2  }
0x95: {  	s2 =	sld [smem:$0x3FFD];
	_ =	sdelay $0x3  }
0x96: {  	_ =	strace s2  }
0x97: {  	_ =	strace $0x8FFFFFFF  }
0x98: {  	s18 =	sld [smem:$0x3FDB];
	_ =	sdelay $0x1  }
0x99: {  	s19 =	simm.s32 $_scs_section_size  }
0x9a: {  	s4 =	simm.s32 $_size__tile_overlayer_lowered;
	s5 =	simm.s32 $_tile_overlayer_lowered  }
0x9b: {  	s22 =	simm.s32 $0x1BFF;
	s21 =	sshll.u32 s5, $0x1;
	s2 =	sadd.s32 s19, s18  }
0x9c: {  	s6 =	simm.s32 $0x0;
	s20 =	sshll.u32 s4, $0x1;
	s4 =	sadd.s32 s21, s2  }
0x9d: {  	[timem:s6], [sflag:s22] =	dma.local [hbm:s4], s20  }
0x9e: {  	_ =	swait.ge [sflag:s22], s20  }
0x9f: {  	s3 =	ssub.s32 $0x0, s20;
	[sflag:s22] =	ssyncset.done $0x0  }
0xa0: {  	[sflag:s22] =	ssyncadd.s32 s3;
	_ =	sdelay $0x1  }
0xa1: {  	s23 =	simm.s32 $0x1B8B  }
0xa2: {  	_ =	swait.ge [sflag:s23], $0x1  }
0xa3: {  	[sflag:s23] =	ssyncset.done $0x0  }
0xa4: {  	s25 =	simm.s32 $0x1B8E;
	s24 =	sld [smem:$0x3FFE];
	[sflag:s23] =	ssyncadd.s32 $0xFFFFFFFF  }
0xa5: {  	s26 =	simm.s32 $execute0_lowered;
	[smem:$0x3FD2] =	sst s25  }
0xa6: {  	s4 =	sshll.u32 s26, $0x1;
	_ =	strace $0x8000004C;
	[dreg:$0x1] =	wrdreg $0xFFFFFFFF  }
0xa7: {  	s28 =	simm.s32 $_size_execute0_lowered;
	s2 =	sadd.s32 s2, s4;
	[dreg:$0x0] =	wrdreg $0x0  }
0xa8: {  	s4 =	sshll.u32 s28, $0x1;
	[dreg:$0x2] =	wrdreg s2  }
0xa9: {  	[dreg:$0x3] =	wrdreg s4  }
0xaa: {  	[dreg:$0x4] =	wrdreg $0xC0  }
0xab: {  	_ =	task [dreg:s6], $0x5FFFF  }
0xac: {  	[dreg:$0x1] =	wrdreg $0xFFFFFFFF  }
0xad: {  	[dreg:$0x0] =	wrdreg $0x60  }
0xae: {  	[dreg:$0x2] =	wrdreg s24  }
0xaf: {  	[dreg:$0x3] =	wrdreg $0x29000  }
0xb0: {  	[dreg:$0x4] =	wrdreg $0x9  }
0xb1: {  	_ =	task.clear_ibuf [dreg:s6], $0x5FFFF;
	_ =	strace $0x9000004C  }
0xb2: {  	s29 =	simm.s32 $0x9;
	_ =	strace $0x8000004E  }
0xb3: {  	_ =	swait.ge [sflag:s29], $0x1  }
0xb4: {  	[sflag:s29] =	ssyncadd.s32 $0xFFFFFFFF  }
0xb5: {  	_ =	strace $0x9000004E  }
0xb6: {  	_ =	sfence  }
0xb7: {  	s30 =	sld [smem:$0x0];
	_ =	sdelay $0x2  }
0xb8: {  	s31 =	sshll.u32 s1, $0xD;
	s1 =	sshrl.u32 s1, $0x2  }
0xb9: {  	s3 =	sand.u32 $0x4000, s31;
	s1 =	sadd.s32 s1, s30  }
0xba: {  	s0 =	sor.u32 s3, s0;
	s1 =	sshll.u32 s1, $0x11  }
0xbb: {  	s0 =	sor.u32 s1, s0  }
0xbc: {  	s0 =	sadd.s32 $0x8F2B, s0  }
0xbd: {  	[sflag:s0] =	ssyncadd.remote.s32 $0x1  }
0xbe: {  	_ =	sfence.sel $0xFFFF  }
0xbf: {  	[dreg:$0x0] =	wrdreg $0xFFFFFFFF;
	(pc) =	sbr.abs _section_cstart, $3  }
0xc0: {  	[dreg:$0x1] =	wrdreg $0xFFFFFFFF  }
0xc1: {  	_ =	task.clear_ibuf [dreg:s6], $0x2FFFF;
	_ =	strace $0x9FFFFFFF  }
0xc2: {  	(tm) =	ssettm $0x7FFFFFFF  }
0xc3: {  	_ =	shalt  }
tec
execute0_lowered:
.L_overlay_start_1:
0x0: {  	(tag) =	ssettag $0x1  }
0x1: {  	s0 =	srdreg.scid;
	s20 =	stileid.u32  }
0x2: {  	s1 =	rddreg [dreg:$0x0];
	s4 =	smul.u32 $0x2710, s20  }
0x3: {  	s2 =	rddreg [dreg:$0x1];
	s0 =	sand.u32 $0x1, s0;
	s25 =	smul.u32 $0xA000, s20  }
0x4: {  	s3 =	simm.s32 $0x0;
	s10 =	sor.u32 $0x10, s20;
	s5 =	smul.u32 $0x27100, s0  }
0x5: {  	s28 =	simm.s32 $0x80;
	s11 =	sor.u32 $0x20, s20;
	s8 =	smul.u32 $0xA000, s10  }
0x6: {  	s29 =	simm.s32 $0x50;
	s12 =	sor.u32 $0x30, s20;
	s9 =	smul.u32 $0xA000, s11  }
0x7: {  	s30 =	simm.s32 $0x1;
	s14 =	sor.u32 $0x40, s20;
	s13 =	smul.u32 $0xA000, s12  }
0x8: {  	s31 =	simm.s32 $0x3;
	s17 =	sor.u32 $0x60, s20;
	s15 =	smul.u32 $0xA000, s14  }
0x9: {  	[smem:$0x7FF] =	sst s3;
	s23 =	sadd.s32 $0x17C00, s1;
	s18 =	smul.u32 $0xA000, s17  }
0xa: {  	s16 =	sor.u32 $0x50, s20;
	_ =	strace $0x8000004D;
	s21 =	smul.u32 $0x500, s10  }
0xb: {  	[dreg:$0x3] =	wrdreg s23;
	s0 =	ssub.s32 $0x2, s0;
	s22 =	smul.u32 $0x500, s11  }
0xc: {  	s23 =	smul.u32 $0x500, s14;
	s26 =	sshrl.u32 s0, $0x1;
	s4 =	sadd.s32 s4, s5  }
0xd: {  	s0 =	ssub.s32 s0, s26;
	s8 =	sshrl.u32 s8, $0x2;
	s9 =	sshrl.u32 s9, $0x2  }
0xe: {  	s13 =	sshrl.u32 s13, $0x2;
	s15 =	sshrl.u32 s15, $0x2;
	s18 =	sshrl.u32 s18, $0x2  }
0xf: {  	s26 =	smul.u32 $0x500, s16;
	s6 =	sshrl.u32 s4, $0x3;
	s4 =	sadd.s32 $0x18200, s1  }
0x10: {  	s0 =	smax.u32 s0, $0x1;
	s8 =	sadd.s32 s8, s2;
	s9 =	sadd.s32 s9, s2  }
0x11: {  	s24 =	sadd.s32 s6, s1;
	s1 =	sadd.s32 s5, s1;
	s6 =	smul.u32 $0xA000, s16  }
0x12: {  	s5 =	sshrl.u32 s25, $0x2;
	s25 =	sor.u32 $0x70, s20;
	s20 =	smul.u32 $0x500, s20  }
0x13: {  	s10 =	sadd.s32 s13, s2;
	s11 =	sadd.s32 s15, s2;
	s19 =	smul.u32 $0xA000, s25  }
0x14: {  	s13 =	sadd.s32 s18, s2;
	s7 =	sadd.s32 s5, s2;
	s5 =	smul.u32 $0x500, s12  }
0x15: {  	[dreg:$0x4] =	wrdreg s0;
	s1 =	sadd.s32 $0x66600, s1;
	s16 =	smul.u32 $0x500, s25  }
0x16: {  	p0 =	sgt.u32 s25, $0x7C;
	s25 =	simm.s32 $0x100;
	s0 =	sshrl.u32 s6, $0x2  }
0x17: {  	s6 =	sadd.s32 s1, s20;
	s15 =	sadd.s32 s1, s21;
	s20 =	sadd.s32 s1, s26  }
0x18: {  	s26 =	simm.s32 $0x2;
	s12 =	sadd.s32 s0, s2;
	[dreg:$0x5] =	wrdreg s6  }
0x19: {  	s19 =	sshrl.u32 s19, $0x2;
	s0 =	smul.u32 $0x500, s17;
	[dreg:$0x6] =	wrdreg s15  }
0x1a: {  	s17 =	sadd.s32 s1, s22;
	s18 =	sadd.s32 s1, s5;
	s22 =	sadd.s32 s1, s16  }
0x1b: {  	s14 =	sadd.s32 s19, s2;
	s19 =	sadd.s32 s1, s23;
	s23 =	sadd.s32 $0xDE00, s24  }
0x1c: {  	s24 =	sadd.s32 $0x4000, s24;
	s21 =	sadd.s32 s1, s0;
	s1 =	simm.s32 $0x0  }
.LBB2_1:
0x1d: {  	s0 =	rddreg [dreg:$0x3]  }
0x1e: {  	[tilespmem:s25], [sflag:$0x2] =	stream.linear.gather [hbm4b:s0+s3], $0x2800, $0x38;
	[tilespmem:$0x16180] =	vst v63  }
0x1f: {  	_ =	swait.ge [sflag:s26], $0x2800  }
0x20: {  	[sflag:s26] =	ssyncset.done $0x0  }
0x21: {  	[sflag:s26] =	ssyncadd.s32 $0xFFFFD800  }
0x22: {  	[spmem:s7] =	stream.linear.scatter [tilespmem:s25], [sflag:$0x2], $0x2800, $0x38;
	[tilespmem:$0x16180] =	vst v63  }
0x23: {  	_ =	swait.ge [sflag:s26], $0x2800  }
0x24: {  	[sflag:s26] =	ssyncset.done $0x0  }
0x25: {  	[sflag:s26] =	ssyncadd.s32 $0xFFFFD800  }
0x26: {  	[spmem:s8] =	stream.linear.scatter [tilespmem:s25], [sflag:$0x2], $0x2800, $0x38;
	[tilespmem:$0x16180] =	vst v63  }
0x27: {  	_ =	swait.ge [sflag:s26], $0x2800  }
0x28: {  	[sflag:s26] =	ssyncset.done $0x0  }
0x29: {  	[sflag:s26] =	ssyncadd.s32 $0xFFFFD800  }
0x2a: {  	[spmem:s9] =	stream.linear.scatter [tilespmem:s25], [sflag:$0x2], $0x2800, $0x38;
	[tilespmem:$0x16180] =	vst v63  }
0x2b: {  	_ =	swait.ge [sflag:s26], $0x2800  }
0x2c: {  	[sflag:s26] =	ssyncset.done $0x0  }
0x2d: {  	[sflag:s26] =	ssyncadd.s32 $0xFFFFD800  }
0x2e: {  	[spmem:s10] =	stream.linear.scatter [tilespmem:s25], [sflag:$0x2], $0x2800, $0x38;
	[tilespmem:$0x16180] =	vst v63  }
0x2f: {  	_ =	swait.ge [sflag:s26], $0x2800  }
0x30: {  	[sflag:s26] =	ssyncset.done $0x0  }
0x31: {  	[sflag:s26] =	ssyncadd.s32 $0xFFFFD800  }
0x32: {  	[spmem:s11] =	stream.linear.scatter [tilespmem:s25], [sflag:$0x2], $0x2800, $0x38;
	[tilespmem:$0x16180] =	vst v63  }
0x33: {  	_ =	swait.ge [sflag:s26], $0x2800  }
0x34: {  	[sflag:s26] =	ssyncset.done $0x0  }
0x35: {  	[sflag:s26] =	ssyncadd.s32 $0xFFFFD800  }
0x36: {  	[spmem:s12] =	stream.linear.scatter [tilespmem:s25], [sflag:$0x2], $0x2800, $0x38;
	[tilespmem:$0x16180] =	vst v63  }
0x37: {  	_ =	swait.ge [sflag:s26], $0x2800  }
0x38: {  	[sflag:s26] =	ssyncset.done $0x0  }
0x39: {  	[sflag:s26] =	ssyncadd.s32 $0xFFFFD800  }
0x3a: {  	[spmem:s13] =	stream.linear.scatter [tilespmem:s25], [sflag:$0x2], $0x2800, $0x38;
	[tilespmem:$0x16180] =	vst v63  }
0x3b: {  	_ =	swait.ge [sflag:s26], $0x2800  }
0x3c: {  	[sflag:s26] =	ssyncset.done $0x0  }
0x3d: {  	s0 =	simm.s32 @!p0 $0x100;
	[sflag:s26] =	ssyncadd.s32 $0xFFFFD800  }
0x3e: {  	[spmem:s14] =	stream.linear.scatter @!p0 [tilespmem:s0], [sflag:$0x2], $0x2800, $0x38;
	[tilespmem:$0x16180] =	vst v63  }
0x3f: {  	s0 =	simm.s32 @!p0 $0x2  }
0x40: {  	_ =	swait.ge @!p0 [sflag:s0], $0x2800  }
0x41: {  	[sflag:s0] =	ssyncset.done @!p0 $0x0  }
0x42: {  	[sflag:s0] =	ssyncadd.s32 @!p0 $0xFFFFD800  }
0x43: {  	s15 =	sadd.s32 $0x0, s24;
	[bflag:$0x0] =	sbarrier.arrive $0xFFFF  }
0x44: {  	[tilespmem:s3], [sflag:$0x2] =	stream.linear.gather [hbm4b:s15+s3], $0x50, $0x38;
	[tilespmem:$0x16180] =	vst v63  }
0x45: {  	_ =	swait.ge [sflag:s26], $0x50  }
0x46: {  	[sflag:s26] =	ssyncset.done $0x0  }
0x47: {  	s16 =	sadd.s32 $0x0, s23;
	[sflag:s26] =	ssyncadd.s32 $0xFFFFFFB0  }
0x48: {  	[tilespmem:s28], [sflag:$0x2] =	stream.linear.gather [hbm4b:s16+s3], $0x50, $0x38;
	[tilespmem:$0x16180] =	vst v63  }
0x49: {  	_ =	swait.ge [sflag:s26], $0x50  }
0x4a: {  	[sflag:s26] =	ssyncset.done $0x0  }
0x4b: {  	[sflag:s26] =	ssyncadd.s32 $0xFFFFFFB0  }
0x4c: {  	[tilespmem:s25], [sflag:$0x1] =	stream.indirect.gather [hbm4b:s4+s29], $0x80, s3, s29, $0xb8;
	[tilespmem:$0x16180] =	vst v63  }
0x4d: {  	_ =	swait.ge [sflag:s30], $0x2800  }
0x4e: {  	[sflag:s30] =	ssyncset.done $0x0  }
0x4f: {  	[sflag:s30] =	ssyncadd.s32 $0xFFFFD800  }
0x50: {  	[spmem:s2] =	stream.indirect.scatter.add.f32 [tilespmem:s25], [sflag:$0x2], $0x80, s28, s29, $0xb8;
	[tilespmem:$0x16180] =	vst v63  }
0x51: {  	_ =	swait.ge [sflag:s26], $0x2800  }
0x52: {  	s5 =	simm.s32 $0x14;
	s0 =	simm.s32 $0xA;
	[sflag:s26] =	ssyncset.done $0x0  }
.LBB2_2:
0x53: {  	s6 =	sadd.s32 s0, s24  }
0x54: {  	[sflag:s26] =	ssyncadd.s32 $0xFFFFD800;
	s15 =	smov.u32 s5;
	s16 =	sadd.s32 $0xA, s5  }
0x55: {  	[tilespmem:s3], [sflag:$0x2] =	stream.linear.gather [hbm4b:s6+s3], $0x50, $0x38;
	[tilespmem:$0x16180] =	vst v63  }
0x56: {  	p1 =	sne.s32 s5, $0x4D8;
	_ =	swait.ge [sflag:s26], $0x50  }
0x57: {  	[sflag:s26] =	ssyncset.done $0x0  }
0x58: {  	s5 =	sadd.s32 s0, s23;
	s0 =	smov.u32 s15;
	[sflag:s26] =	ssyncadd.s32 $0xFFFFFFB0  }
0x59: {  	[tilespmem:s28], [sflag:$0x2] =	stream.linear.gather [hbm4b:s5+s3], $0x50, $0x38;
	[tilespmem:$0x16180] =	vst v63  }
0x5a: {  	_ =	swait.ge [sflag:s26], $0x50  }
0x5b: {  	[sflag:s26] =	ssyncset.done $0x0  }
0x5c: {  	[sflag:s26] =	ssyncadd.s32 $0xFFFFFFB0  }
0x5d: {  	[tilespmem:s25], [sflag:$0x1] =	stream.indirect.gather [hbm4b:s4+s29], $0x80, s3, s29, $0xb8;
	[tilespmem:$0x16180] =	vst v63  }
0x5e: {  	_ =	swait.ge [sflag:s30], $0x2800  }
.Ltmp0:
0x5f: {  	[sflag:s30] =	ssyncset.done $0x0;
	(pc) =	sbr.rel @p1 .LBB2_2-.Ltmp0, $4  }
0x60: {  	[sflag:s30] =	ssyncadd.s32 $0xFFFFD800  }
0x61: {  	[spmem:s2] =	stream.indirect.scatter.add.f32 [tilespmem:s25], [sflag:$0x2], $0x80, s28, s29, $0xb8;
	[tilespmem:$0x16180] =	vst v63  }
0x62: {  	_ =	swait.ge [sflag:s26], $0x2800  }
0x63: {  	s5 =	smov.u32 s16;
	[sflag:s26] =	ssyncset.done $0x0  }
0x64: {  	s5 =	sadd.s32 s0, s24;
	[sflag:s26] =	ssyncadd.s32 $0xFFFFD800  }
0x65: {  	[tilespmem:s3], [sflag:$0x2] =	stream.linear.gather [hbm4b:s5+s3], $0x50, $0x38;
	[tilespmem:$0x16180] =	vst v63  }
0x66: {  	_ =	swait.ge [sflag:s26], $0x50  }
0x67: {  	[sflag:s26] =	ssyncset.done $0x0  }
0x68: {  	s5 =	sadd.s32 s0, s23;
	[sflag:s26] =	ssyncadd.s32 $0xFFFFFFB0  }
0x69: {  	[tilespmem:s28], [sflag:$0x2] =	stream.linear.gather [hbm4b:s5+s3], $0x50, $0x38;
	[tilespmem:$0x16180] =	vst v63  }
0x6a: {  	_ =	swait.ge [sflag:s26], $0x50  }
0x6b: {  	[sflag:s26] =	ssyncset.done $0x0  }
0x6c: {  	[sflag:s26] =	ssyncadd.s32 $0xFFFFFFB0  }
0x6d: {  	[tilespmem:s25], [sflag:$0x1] =	stream.indirect.gather [hbm4b:s4+s29], $0x80, s3, s29, $0xb8;
	[tilespmem:$0x16180] =	vst v63  }
0x6e: {  	_ =	swait.ge [sflag:s30], $0x2800  }
0x6f: {  	[sflag:s30] =	ssyncset.done $0x0  }
0x70: {  	[sflag:s30] =	ssyncadd.s32 $0xFFFFD800  }
0x71: {  	[spmem:s2] =	stream.indirect.scatter.add.f32 [tilespmem:s25], [sflag:$0x2], $0x80, s28, s29, $0xb8;
	[tilespmem:$0x16180] =	vst v63  }
0x72: {  	_ =	swait.ge [sflag:s26], $0x2800  }
0x73: {  	[sflag:s26] =	ssyncset.done $0x0  }
0x74: {  	[sflag:s26] =	ssyncadd.s32 $0xFFFFD800  }
0x75: {  	[bflag:$0x0] =	sbarrier.arrive $0xFFFF  }
0x76: {  	[tilespmem:s25], [sflag:$0x3] =	stream.linear.gather [spmem:s7], $0x2800, $0x38;
	[tilespmem:$0x16180] =	vst v63  }
0x77: {  	_ =	swait.ge [sflag:s31], $0x2800  }
0x78: {  	[sflag:s31] =	ssyncset.done $0x0  }
0x79: {  	s6 =	rddreg [dreg:$0x5];
	[sflag:s31] =	ssyncadd.s32 $0xFFFFD800  }
0x7a: {  	[hbm4b:s6+s3] =	stream.linear.scatter [tilespmem:s25], [sflag:$0x2], $0x2800, $0x38;
	[tilespmem:$0x16180] =	vst v63  }
0x7b: {  	_ =	swait.ge [sflag:s26], $0x2800  }
0x7c: {  	[sflag:s26] =	ssyncset.done $0x0  }
0x7d: {  	[sflag:s26] =	ssyncadd.s32 $0xFFFFD800  }
0x7e: {  	[tilespmem:s25], [sflag:$0x3] =	stream.linear.gather [spmem:s8], $0x2800, $0x38;
	[tilespmem:$0x16180] =	vst v63  }
0x7f: {  	_ =	swait.ge [sflag:s31], $0x2800  }
0x80: {  	[sflag:s31] =	ssyncset.done $0x0  }
0x81: {  	s15 =	rddreg [dreg:$0x6];
	[sflag:s31] =	ssyncadd.s32 $0xFFFFD800  }
0x82: {  	[hbm4b:s15+s3] =	stream.linear.scatter [tilespmem:s25], [sflag:$0x2], $0x2800, $0x38;
	[tilespmem:$0x16180] =	vst v63  }
0x83: {  	_ =	swait.ge [sflag:s26], $0x2800  }
0x84: {  	[sflag:s26] =	ssyncset.done $0x0  }
0x85: {  	[sflag:s26] =	ssyncadd.s32 $0xFFFFD800  }
0x86: {  	[tilespmem:s25], [sflag:$0x3] =	stream.linear.gather [spmem:s9], $0x2800, $0x38;
	[tilespmem:$0x16180] =	vst v63  }
0x87: {  	_ =	swait.ge [sflag:s31], $0x2800  }
0x88: {  	[sflag:s31] =	ssyncset.done $0x0  }
0x89: {  	[sflag:s31] =	ssyncadd.s32 $0xFFFFD800  }
0x8a: {  	[hbm4b:s17+s3] =	stream.linear.scatter [tilespmem:s25], [sflag:$0x2], $0x2800, $0x38;
	[tilespmem:$0x16180] =	vst v63  }
0x8b: {  	_ =	swait.ge [sflag:s26], $0x2800  }
0x8c: {  	[sflag:s26] =	ssyncset.done $0x0  }
0x8d: {  	[sflag:s26] =	ssyncadd.s32 $0xFFFFD800  }
0x8e: {  	[tilespmem:s25], [sflag:$0x3] =	stream.linear.gather [spmem:s10], $0x2800, $0x38;
	[tilespmem:$0x16180] =	vst v63  }
0x8f: {  	_ =	swait.ge [sflag:s31], $0x2800  }
0x90: {  	[sflag:s31] =	ssyncset.done $0x0  }
0x91: {  	[sflag:s31] =	ssyncadd.s32 $0xFFFFD800  }
0x92: {  	[hbm4b:s18+s3] =	stream.linear.scatter [tilespmem:s25], [sflag:$0x2], $0x2800, $0x38;
	[tilespmem:$0x16180] =	vst v63  }
0x93: {  	_ =	swait.ge [sflag:s26], $0x2800  }
0x94: {  	[sflag:s26] =	ssyncset.done $0x0  }
0x95: {  	[sflag:s26] =	ssyncadd.s32 $0xFFFFD800  }
0x96: {  	[tilespmem:s25], [sflag:$0x3] =	stream.linear.gather [spmem:s11], $0x2800, $0x38;
	[tilespmem:$0x16180] =	vst v63  }
0x97: {  	_ =	swait.ge [sflag:s31], $0x2800  }
0x98: {  	[sflag:s31] =	ssyncset.done $0x0  }
0x99: {  	[sflag:s31] =	ssyncadd.s32 $0xFFFFD800  }
0x9a: {  	[hbm4b:s19+s3] =	stream.linear.scatter [tilespmem:s25], [sflag:$0x2], $0x2800, $0x38;
	[tilespmem:$0x16180] =	vst v63  }
0x9b: {  	_ =	swait.ge [sflag:s26], $0x2800  }
0x9c: {  	[sflag:s26] =	ssyncset.done $0x0  }
0x9d: {  	[sflag:s26] =	ssyncadd.s32 $0xFFFFD800  }
0x9e: {  	[tilespmem:s25], [sflag:$0x3] =	stream.linear.gather [spmem:s12], $0x2800, $0x38;
	[tilespmem:$0x16180] =	vst v63  }
0x9f: {  	_ =	swait.ge [sflag:s31], $0x2800  }
0xa0: {  	[sflag:s31] =	ssyncset.done $0x0  }
0xa1: {  	[sflag:s31] =	ssyncadd.s32 $0xFFFFD800  }
0xa2: {  	[hbm4b:s20+s3] =	stream.linear.scatter [tilespmem:s25], [sflag:$0x2], $0x2800, $0x38;
	[tilespmem:$0x16180] =	vst v63  }
0xa3: {  	_ =	swait.ge [sflag:s26], $0x2800  }
0xa4: {  	[sflag:s26] =	ssyncset.done $0x0  }
0xa5: {  	[sflag:s26] =	ssyncadd.s32 $0xFFFFD800  }
0xa6: {  	[tilespmem:s25], [sflag:$0x3] =	stream.linear.gather [spmem:s13], $0x2800, $0x38;
	[tilespmem:$0x16180] =	vst v63  }
0xa7: {  	_ =	swait.ge [sflag:s31], $0x2800  }
0xa8: {  	[sflag:s31] =	ssyncset.done $0x0  }
0xa9: {  	[sflag:s31] =	ssyncadd.s32 $0xFFFFD800  }
0xaa: {  	[hbm4b:s21+s3] =	stream.linear.scatter [tilespmem:s25], [sflag:$0x2], $0x2800, $0x38;
	[tilespmem:$0x16180] =	vst v63  }
0xab: {  	_ =	swait.ge [sflag:s26], $0x2800  }
0xac: {  	[sflag:s26] =	ssyncset.done $0x0  }
0xad: {  	s0 =	simm.s32 @!p0 $0x100;
	s5 =	simm.s32 @!p0 $0x3;
	[sflag:s26] =	ssyncadd.s32 $0xFFFFD800  }
0xae: {  	[tilespmem:s0], [sflag:$0x3] =	stream.linear.gather @!p0 [spmem:s14], $0x2800, $0x38;
	[tilespmem:$0x16180] =	vst v63  }
0xaf: {  	_ =	swait.ge @!p0 [sflag:s5], $0x2800  }
0xb0: {  	[sflag:s5] =	ssyncset.done @!p0 $0x0  }
0xb1: {  	[sflag:s5] =	ssyncadd.s32 @!p0 $0xFFFFD800;
	s5 =	simm.s32 @!p0 $0x0  }
0xb2: {  	[hbm4b:s22+s5] =	stream.linear.scatter @!p0 [tilespmem:s0], [sflag:$0x2], $0x2800, $0x38;
	[tilespmem:$0x16180] =	vst v63  }
0xb3: {  	s0 =	simm.s32 @!p0 $0x2  }
0xb4: {  	_ =	swait.ge @!p0 [sflag:s0], $0x2800  }
0xb5: {  	s1 =	sadd.s32 $0x1, s1;
	s16 =	rddreg [dreg:$0x4]  }
0xb6: {  	p1 =	sne.s32 s1, s16  }
.Ltmp1:
0xb7: {  	_ = 	snop;
	(pc) =	sbr.rel @p1 .LBB2_1-.Ltmp1, $3  }
0xb8: {  	_ =	sdelay $0x1  }
0xb9: {  	[sflag:s0] =	ssyncset.done @!p0 $0x0  }
0xba: {  	[sflag:s0] =	ssyncadd.s32 @!p0 $0xFFFFD800  }
0xbb: {  	_ =	sfence.sel $0x180000  }
0xbc: {  	[bflag:$0x0] =	sbarrier.arrive $0xFFFF  }
0xbd: {  	_ =	strace $0x9000004D  }
0xbe: {  	s0 =	stileid.u32;
	[bflag:$0x2] =	sbarrier.arrive $0xFFFF  }
0xbf: {  	p0 =	sne.s32 s0, $0x0;
	s0 =	rddreg [dreg:$0x2]  }
0xc0: {  	s0 =	sadd.s32 @!p0 $0x100000, s0  }
0xc1: {  	[sflag:s0] =	ssyncadd.tile.s32 @!p0 $0x1;
	_ =	shalt  }
.Lfunc_end2:
_tile_overlayer_lowered:
.L_overlay_start_2:
0xc2: {  	(tag) =	ssettag $0x2  }
0xc3: {  	s0 =	rddreg [dreg:$0x0];
	s2 =	stileid.u32  }
0xc4: {  	s1 =	rddreg [dreg:$0x1];
	p0 =	sne.s32 s2, $0x0  }
0xc5: {  	s3 =	rddreg [dreg:$0x2];
	[bflag:$0x3] =	sbarrier.arrive $0xFFFF;
	s2 =	simm.s32 @!p0 $0x1C02  }
0xc6: {  	[timem:s3], [sflag:s2] =	dma.local @!p0 [hbm:s0], s1  }
0xc7: {  	s0 =	simm.s32 @!p0 $0x2  }
0xc8: {  	_ =	swait.ge @!p0 [sflag:s0], s1  }
0xc9: {  	s1 =	ssub.s32 @!p0 $0x0, s1;
	[sflag:s0] =	ssyncset.done @!p0 $0x0  }
0xca: {  	[sflag:s0] =	ssyncadd.s32 @!p0 s1  }
0xcb: {  	[bflag:$0x3] =	sbarrier.arrive $0xFFFF  }
0xcc: {  	_ =	shalt  }

// kernel: kernel.8.cloned.1.call-start
scs
__scs_entry_jumppad:
0x0: {  	(pc) =	sbr.rel $0x88, $3  }
0x1: {  	(tag) =	ssettag $0x0;
	lr =	simm.s32 $0x1  }
0x2: {  	[smem:$0x3F98] =	sst lr;
	_ =	strace $0xD0000000  }
0x3: {  	_ = 	snop  }
0x4: {  	_ = 	snop  }
0x5: {  	_ = 	snop  }
0x6: {  	_ = 	snop  }
0x7: {  	_ = 	snop  }
__scs_overlays_trampoline_lowered:
0x8: {  	[smem:$0x3FA7] =	sst s0  }
0x9: {  	[smem:$0x3FA8] =	sst s1  }
0xa: {  	[smem:$0x3FA9] =	sst s2  }
0xb: {  	[smem:$0x3FAA] =	sst s3  }
0xc: {  	[smem:$0x3FAB] =	sst s4  }
0xd: {  	[smem:$0x3FAC] =	sst s5  }
0xe: {  	[smem:$0x3FAD] =	sst s6  }
0xf: {  	[smem:$0x3FAE] =	sst s7  }
0x10: {  	[smem:$0x3FAF] =	sst s8  }
0x11: {  	[smem:$0x3FB0] =	sst s9;
	s0 =	simm.s32 @!p0 $0x0  }
0x12: {  	s1 =	sld [smem:$0x3F96];
	s0 =	simm.s32 @p0 $0x1  }
0x13: {  	[smem:$0x3FB1] =	sst s0;
	s0 =	simm.s32 @!p1 $0x0  }
0x14: {  	s2 =	sld [smem:$0x3F95];
	s0 =	simm.s32 @p1 $0x1  }
0x15: {  	[smem:$0x3FB2] =	sst s0;
	s0 =	simm.s32 @!p2 $0x0  }
0x16: {  	s3 =	sld [smem:$0x3FDB];
	s0 =	simm.s32 @p2 $0x1  }
0x17: {  	s4 =	simm.s32 $0x1BF5;
	[smem:$0x3FB4] =	sst s0  }
0x18: {  	s0 =	sld [smem:$0x3F97];
	_ =	swait.ge [sflag:s4], $0x0  }
0x19: {  	s7 =	sld [smem:$0x3F98]  }
0x1a: {  	s8 =	sadd.s32 $0xFFFFE003, lr  }
0x1b: {  	s9 =	sadd.s32 $0xFFFFFEF7, lr;
	s5 =	simm.s32 $0xFFFFFFFF;
	p2 =	slt.u32 s8, $0xFFFFF086  }
0x1c: {  	p1 =	slt.u32 s9, $0xF7A;
	s5 =	simm.s32 @!p2 $0x0  }
0x1d: {  	s5 =	simm.s32 @p1 $0x1;
	p0 =	seq.s32 s7, s2  }
0x1e: {  	s7 =	smul.u32 @!p0 $0xF7A, s2;
	p2 =	seq.s32 @!p0 s5, $0x0  }
0x1f: {  	s9 =	smul.u32 $0xF7A, s1;
	s8 =	simm.s32 @!p0 $0x1BF5;
	p2 =	por !p2, p0  }
0x20: {  	[sflag:s8] =	ssyncset.s32 @!p0 $0xFFFFF086;
	s6 =	sadd.s32 @!p0 s3, s7;
	s7 =	simm.s32 @!p0 $0x108  }
0x21: {  	s3 =	sadd.s32 s3, s9;
	s6 =	sadd.s32 @!p0 $0x88, s6;
	s7 =	simm.s32 @p2 $0x1082  }
0x22: {  	[simem:s7], [sflag:s8] =	dma.local @!p0 [hbm:s6], $0xF7A  }
0x23: {  	s9 =	sor.u32 $0xD0000000, s2;
	s6 =	simm.s32 $0x108;
	_ =	swait.ge @!p0 [sflag:s8], $0x0  }
0x24: {  	s3 =	sadd.s32 $0x88, s3;
	s6 =	simm.s32 @!p1 $0x1082;
	[sflag:s4] =	ssyncset.s32 $0xFFFFF086  }
0x25: {  	[simem:s6], [sflag:s4] =	dma.local [hbm:s3], $0xF7A  }
0x26: {  	[smem:$0x3F98] =	sst s1;
	(tag) =	ssettag s2;
	_ =	strace s9  }
0x27: {  	s1 =	sld [smem:$0x3FA8]  }
0x28: {  	s2 =	sld [smem:$0x3FA9]  }
0x29: {  	s4 =	sld [smem:$0x3FAB]  }
0x2a: {  	p0 =	seq.s32 s5, $0x0;
	s5 =	sld [smem:$0x3FAC]  }
0x2b: {  	s6 =	sld [smem:$0x3FAD]  }
0x2c: {  	s7 =	sld [smem:$0x3FAE]  }
0x2d: {  	s3 =	simm.s32 $0x108;
	s8 =	sld [smem:$0x3FAF]  }
0x2e: {  	s3 =	simm.s32 @!p0 $0x1082;
	s9 =	sld [smem:$0x3FB0]  }
0x2f: {  	lr =	sadd.s32 s0, s3;
	s0 =	sld [smem:$0x3FA7]  }
0x30: {  	s3 =	sld [smem:$0x3FAA]  }
0x31: {  	[smem:$0x3FB3] =	sst s10  }
0x32: {  	s10 =	sld [smem:$0x3FB1];
	_ =	sdelay $0x3  }
0x33: {  	p0 =	seq.s32 s10, $0x1;
	s10 =	sld [smem:$0x3FB3];
	_ =	sdelay $0x3  }
0x34: {  	[smem:$0x3FB3] =	sst s10  }
0x35: {  	s10 =	sld [smem:$0x3FB2];
	_ =	sdelay $0x3  }
0x36: {  	p1 =	seq.s32 s10, $0x1;
	s10 =	sld [smem:$0x3FB3];
	_ =	sdelay $0x3  }
0x37: {  	[smem:$0x3FB3] =	sst s10  }
0x38: {  	s10 =	sld [smem:$0x3FB4]  }
0x39: {  	_ = 	snop;
	(pc) =	sbr.ind lr, $3  }
0x3a: {  	_ = 	snop  }
0x3b: {  	_ = 	snop  }
0x3c: {  	p2 =	seq.s32 s10, $0x1;
	s10 =	sld [smem:$0x3FB3]  }
0x3d: {  	_ =	shalt  }
0x3e: {  	_ =	shalt  }
0x3f: {  	_ =	shalt  }
0x40: {  	_ =	shalt  }
0x41: {  	_ =	shalt  }
0x42: {  	_ =	shalt  }
0x43: {  	_ =	shalt  }
0x44: {  	_ =	shalt  }
0x45: {  	_ =	shalt  }
0x46: {  	_ =	shalt  }
0x47: {  	_ =	shalt  }
0x48: {  	_ =	shalt  }
0x49: {  	_ =	shalt  }
0x4a: {  	_ =	shalt  }
0x4b: {  	_ =	shalt  }
0x4c: {  	_ =	shalt  }
0x4d: {  	_ =	shalt  }
0x4e: {  	_ =	shalt  }
0x4f: {  	_ =	shalt  }
0x50: {  	_ =	shalt  }
0x51: {  	_ =	shalt  }
0x52: {  	_ =	shalt  }
0x53: {  	_ =	shalt  }
0x54: {  	_ =	shalt  }
0x55: {  	_ =	shalt  }
0x56: {  	_ =	shalt  }
0x57: {  	_ =	shalt  }
0x58: {  	_ =	shalt  }
0x59: {  	_ =	shalt  }
0x5a: {  	_ =	shalt  }
0x5b: {  	_ =	shalt  }
0x5c: {  	_ =	shalt  }
0x5d: {  	_ =	shalt  }
0x5e: {  	_ =	shalt  }
0x5f: {  	_ =	shalt  }
0x60: {  	_ =	shalt  }
0x61: {  	_ =	shalt  }
0x62: {  	_ =	shalt  }
0x63: {  	_ =	shalt  }
0x64: {  	_ =	shalt  }
0x65: {  	_ =	shalt  }
0x66: {  	_ =	shalt  }
0x67: {  	_ =	shalt  }
0x68: {  	_ =	shalt  }
0x69: {  	_ =	shalt  }
0x6a: {  	_ =	shalt  }
0x6b: {  	_ =	shalt  }
0x6c: {  	_ =	shalt  }
0x6d: {  	_ =	shalt  }
0x6e: {  	_ =	shalt  }
0x6f: {  	_ =	shalt  }
0x70: {  	_ =	shalt  }
0x71: {  	_ =	shalt  }
0x72: {  	_ =	shalt  }
0x73: {  	_ =	shalt  }
0x74: {  	_ =	shalt  }
0x75: {  	_ =	shalt  }
0x76: {  	_ =	shalt  }
0x77: {  	_ =	shalt  }
0x78: {  	_ =	shalt  }
0x79: {  	_ =	shalt  }
0x7a: {  	_ =	shalt  }
0x7b: {  	_ =	shalt  }
0x7c: {  	_ =	shalt  }
0x7d: {  	_ =	shalt  }
0x7e: {  	_ =	shalt  }
0x7f: {  	_ =	shalt  }
0x80: {  	_ =	shalt  }
0x81: {  	_ =	shalt  }
0x82: {  	_ =	shalt  }
0x83: {  	_ =	shalt  }
0x84: {  	_ =	shalt  }
0x85: {  	_ =	shalt  }
0x86: {  	_ =	shalt  }
0x87: {  	_ =	shalt  }
.Lfunc_end0:
.L_simem_size_0:
called_computation_lowered:
.L_overlay_start_0:
0x88: {  	s2 =	sld [smem:$0x3FD9]  }
0x89: {  	s3 =	sld [smem:$0x3FFE];
	_ =	sdelay $0x1  }
0x8a: {  	s1 =	srdreg.scid  }
0x8b: {  	s0 =	sand.u32 $0x1, s1  }
0x8c: {  	s16 =	sshll.u32 s0, $0xA;
	s2 =	sadd.s32 s3, s2  }
0x8d: {  	s2 =	sadd.s32 s2, s16  }
0x8e: {  	[smem:$0x3FBF] =	sst s2  }
0x8f: {  	_ = 	snop  }
0x90: {  	(tm) =	ssettm $0x1  }
0x91: {  	s17 =	sld [smem:$0x3FFB];
	_ =	sdelay $0x3  }
0x92: {  	_ =	strace s17  }
0x93: {  	s2 =	sld [smem:$0x3FFC];
	_ =	sdelay $0x3  }
0x94: {  	_ =	strace s2  }
0x95: {  	s2 =	sld [smem:$0x3FFD];
	_ =	sdelay $0x3  }
0x96: {  	_ =	strace s2  }
0x97: {  	_ =	strace $0x8FFFFFFF  }
0x98: {  	s18 =	sld [smem:$0x3FDB];
	_ =	sdelay $0x1  }
0x99: {  	s19 =	simm.s32 $_scs_section_size  }
0x9a: {  	s4 =	simm.s32 $_size__tile_overlayer_lowered;
	s5 =	simm.s32 $_tile_overlayer_lowered  }
0x9b: {  	s22 =	simm.s32 $0x1BFF;
	s21 =	sshll.u32 s5, $0x1;
	s2 =	sadd.s32 s19, s18  }
0x9c: {  	s6 =	simm.s32 $0x0;
	s20 =	sshll.u32 s4, $0x1;
	s4 =	sadd.s32 s21, s2  }
0x9d: {  	[timem:s6], [sflag:s22] =	dma.local [hbm:s4], s20  }
0x9e: {  	_ =	swait.ge [sflag:s22], s20  }
0x9f: {  	s3 =	ssub.s32 $0x0, s20;
	[sflag:s22] =	ssyncset.done $0x0  }
0xa0: {  	[sflag:s22] =	ssyncadd.s32 s3;
	_ =	sdelay $0x1  }
0xa1: {  	s23 =	simm.s32 $0x1B8B  }
0xa2: {  	_ =	swait.ge [sflag:s23], $0x1  }
0xa3: {  	[sflag:s23] =	ssyncset.done $0x0  }
0xa4: {  	s25 =	simm.s32 $0x1B8E;
	s24 =	sld [smem:$0x3FFE];
	[sflag:s23] =	ssyncadd.s32 $0xFFFFFFFF  }
0xa5: {  	s26 =	simm.s32 $execute0_lowered;
	[smem:$0x3FD2] =	sst s25  }
0xa6: {  	s4 =	sshll.u32 s26, $0x1;
	_ =	strace $0x80000046;
	[dreg:$0x1] =	wrdreg $0xFFFFFFFF  }
0xa7: {  	s28 =	simm.s32 $_size_execute0_lowered;
	s2 =	sadd.s32 s2, s4;
	[dreg:$0x0] =	wrdreg $0x0  }
0xa8: {  	s4 =	sshll.u32 s28, $0x1;
	[dreg:$0x2] =	wrdreg s2  }
0xa9: {  	[dreg:$0x3] =	wrdreg s4  }
0xaa: {  	[dreg:$0x4] =	wrdreg $0xC0  }
0xab: {  	_ =	task [dreg:s6], $0x5FFFF  }
0xac: {  	[dreg:$0x1] =	wrdreg $0xFFFFFFFF  }
0xad: {  	[dreg:$0x0] =	wrdreg $0x60  }
0xae: {  	[dreg:$0x2] =	wrdreg s24  }
0xaf: {  	[dreg:$0x3] =	wrdreg $0x28800  }
0xb0: {  	[dreg:$0x4] =	wrdreg $0x9  }
0xb1: {  	_ =	task.clear_ibuf [dreg:s6], $0x5FFFF;
	_ =	strace $0x90000046  }
0xb2: {  	s29 =	simm.s32 $0x9;
	_ =	strace $0x80000048  }
0xb3: {  	_ =	swait.ge [sflag:s29], $0x1  }
0xb4: {  	[sflag:s29] =	ssyncadd.s32 $0xFFFFFFFF  }
0xb5: {  	_ =	strace $0x90000048  }
0xb6: {  	_ =	sfence  }
0xb7: {  	s30 =	sld [smem:$0x0];
	_ =	sdelay $0x2  }
0xb8: {  	s31 =	sshll.u32 s1, $0xD;
	s1 =	sshrl.u32 s1, $0x2  }
0xb9: {  	s3 =	sand.u32 $0x4000, s31;
	s1 =	sadd.s32 s1, s30  }
0xba: {  	s0 =	sor.u32 s3, s0;
	s1 =	sshll.u32 s1, $0x11  }
0xbb: {  	s0 =	sor.u32 s1, s0  }
0xbc: {  	s0 =	sadd.s32 $0x8F2B, s0  }
0xbd: {  	[sflag:s0] =	ssyncadd.remote.s32 $0x1  }
0xbe: {  	_ =	sfence.sel $0xFFFF  }
0xbf: {  	[dreg:$0x0] =	wrdreg $0xFFFFFFFF;
	(pc) =	sbr.abs _section_cstart, $3  }
0xc0: {  	[dreg:$0x1] =	wrdreg $0xFFFFFFFF  }
0xc1: {  	_ =	task.clear_ibuf [dreg:s6], $0x2FFFF;
	_ =	strace $0x9FFFFFFF  }
0xc2: {  	(tm) =	ssettm $0x7FFFFFFF  }
0xc3: {  	_ =	shalt  }
tec
execute0_lowered:
.L_overlay_start_1:
0x0: {  	(tag) =	ssettag $0x1  }
0x1: {  	s30 =	stileid.u32  }
0x2: {  	s4 =	smul.u32 $0x2710, s30  }
0x3: {  	s0 =	srdreg.scid;
	s31 =	smul.u32 $0xA000, s30  }
0x4: {  	s7 =	sand.u32 $0x1, s0;
	s25 =	smul.u32 $0x500, s30  }
0x5: {  	s10 =	sor.u32 $0x10, s30;
	s8 =	smul.u32 $0x27100, s7  }
0x6: {  	s11 =	sor.u32 $0x20, s30;
	s9 =	smul.u32 $0xA000, s10  }
0x7: {  	s14 =	sor.u32 $0x30, s30;
	s13 =	smul.u32 $0xA000, s11  }
0x8: {  	s6 =	rddreg [dreg:$0x0];
	s15 =	sor.u32 $0x40, s30;
	s1 =	smul.u32 $0xA000, s14  }
0x9: {  	s2 =	rddreg [dreg:$0x1];
	s17 =	sor.u32 $0x50, s30;
	s16 =	smul.u32 $0xA000, s15  }
0xa: {  	s3 =	simm.s32 $0x0;
	s19 =	sor.u32 $0x60, s30;
	s18 =	smul.u32 $0xA000, s17  }
0xb: {  	s29 =	simm.s32 $0x0;
	s24 =	sor.u32 $0x70, s30;
	s20 =	smul.u32 $0xA000, s19  }
0xc: {  	[smem:$0x7FF] =	sst s3;
	s5 =	sadd.s32 $0x18200, s6;
	s21 =	smul.u32 $0xA000, s24  }
0xd: {  	_ =	strace $0x80000047;
	s7 =	ssub.s32 $0x2, s7;
	s26 =	smul.u32 $0x500, s10  }
0xe: {  	s28 =	smul.u32 $0x500, s11;
	p0 =	sgt.u32 s24, $0x7C;
	s12 =	sshrl.u32 s7, $0x1  }
0xf: {  	s4 =	sadd.s32 s4, s8;
	s7 =	ssub.s32 s7, s12;
	s9 =	sshrl.u32 s9, $0x2  }
0x10: {  	s13 =	sshrl.u32 s13, $0x2;
	s12 =	sshrl.u32 s1, $0x2;
	s16 =	sshrl.u32 s16, $0x2  }
0x11: {  	s30 =	sshrl.u32 s18, $0x2;
	s18 =	smul.u32 $0x500, s14;
	s0 =	sshrl.u32 s21, $0x2  }
0x12: {  	s1 =	smul.u32 $0x500, s17;
	s4 =	sshrl.u32 s4, $0x3;
	s10 =	sadd.s32 s12, s2  }
0x13: {  	s11 =	sadd.s32 s16, s2;
	s12 =	sadd.s32 s30, s2;
	s14 =	sadd.s32 s0, s2  }
0x14: {  	s30 =	smul.u32 $0x500, s19;
	s23 =	sadd.s32 s4, s6;
	s4 =	sadd.s32 $0x17C00, s6  }
0x15: {  	s6 =	sadd.s32 s8, s6;
	s8 =	sshrl.u32 s31, $0x2;
	s31 =	sshrl.u32 s20, $0x2  }
0x16: {  	s20 =	smul.u32 $0x500, s15;
	s22 =	sadd.s32 $0x18800, s6;
	s6 =	smax.u32 s7, $0x1  }
0x17: {  	s7 =	sadd.s32 s8, s2;
	s8 =	sadd.s32 s9, s2;
	s9 =	sadd.s32 s13, s2  }
0x18: {  	s13 =	sadd.s32 s31, s2;
	s31 =	smul.u32 $0x500, s24;
	s23 =	sadd.s32 $0xDE00, s23  }
0x19: {  	s24 =	simm.s32 $0x80;
	s15 =	sadd.s32 s22, s25;
	s16 =	sadd.s32 s22, s26  }
0x1a: {  	s17 =	sadd.s32 s22, s28;
	s18 =	sadd.s32 s22, s18;
	s19 =	sadd.s32 s22, s20  }
0x1b: {  	s20 =	sadd.s32 s22, s1;
	s21 =	sadd.s32 s22, s30;
	s25 =	simm.s32 $0x1  }
0x1c: {  	s26 =	simm.s32 $0x50;
	s28 =	simm.s32 $0x2;
	s22 =	sadd.s32 s22, s31  }
.LBB2_1:
0x1d: {  	[tilespmem:s24], [sflag:$0x1] =	stream.linear.gather [hbm4b:s4+s3], $0x2800, $0x38;
	[tilespmem:$0x16100] =	vst v63  }
0x1e: {  	_ =	swait.ge [sflag:s25], $0x2800  }
0x1f: {  	[sflag:s25] =	ssyncset.done $0x0  }
0x20: {  	[sflag:s25] =	ssyncadd.s32 $0xFFFFD800  }
0x21: {  	[spmem:s7] =	stream.linear.scatter [tilespmem:s24], [sflag:$0x1], $0x2800, $0x38;
	[tilespmem:$0x16100] =	vst v63  }
0x22: {  	_ =	swait.ge [sflag:s25], $0x2800  }
0x23: {  	[sflag:s25] =	ssyncset.done $0x0  }
0x24: {  	[sflag:s25] =	ssyncadd.s32 $0xFFFFD800  }
0x25: {  	[spmem:s8] =	stream.linear.scatter [tilespmem:s24], [sflag:$0x1], $0x2800, $0x38;
	[tilespmem:$0x16100] =	vst v63  }
0x26: {  	_ =	swait.ge [sflag:s25], $0x2800  }
0x27: {  	[sflag:s25] =	ssyncset.done $0x0  }
0x28: {  	[sflag:s25] =	ssyncadd.s32 $0xFFFFD800  }
0x29: {  	[spmem:s9] =	stream.linear.scatter [tilespmem:s24], [sflag:$0x1], $0x2800, $0x38;
	[tilespmem:$0x16100] =	vst v63  }
0x2a: {  	_ =	swait.ge [sflag:s25], $0x2800  }
0x2b: {  	[sflag:s25] =	ssyncset.done $0x0  }
0x2c: {  	[sflag:s25] =	ssyncadd.s32 $0xFFFFD800  }
0x2d: {  	[spmem:s10] =	stream.linear.scatter [tilespmem:s24], [sflag:$0x1], $0x2800, $0x38;
	[tilespmem:$0x16100] =	vst v63  }
0x2e: {  	_ =	swait.ge [sflag:s25], $0x2800  }
0x2f: {  	[sflag:s25] =	ssyncset.done $0x0  }
0x30: {  	[sflag:s25] =	ssyncadd.s32 $0xFFFFD800  }
0x31: {  	[spmem:s11] =	stream.linear.scatter [tilespmem:s24], [sflag:$0x1], $0x2800, $0x38;
	[tilespmem:$0x16100] =	vst v63  }
0x32: {  	_ =	swait.ge [sflag:s25], $0x2800  }
0x33: {  	[sflag:s25] =	ssyncset.done $0x0  }
0x34: {  	[sflag:s25] =	ssyncadd.s32 $0xFFFFD800  }
0x35: {  	[spmem:s12] =	stream.linear.scatter [tilespmem:s24], [sflag:$0x1], $0x2800, $0x38;
	[tilespmem:$0x16100] =	vst v63  }
0x36: {  	_ =	swait.ge [sflag:s25], $0x2800  }
0x37: {  	[sflag:s25] =	ssyncset.done $0x0  }
0x38: {  	[sflag:s25] =	ssyncadd.s32 $0xFFFFD800  }
0x39: {  	[spmem:s13] =	stream.linear.scatter [tilespmem:s24], [sflag:$0x1], $0x2800, $0x38;
	[tilespmem:$0x16100] =	vst v63  }
0x3a: {  	_ =	swait.ge [sflag:s25], $0x2800  }
0x3b: {  	[sflag:s25] =	ssyncset.done $0x0  }
0x3c: {  	s30 =	simm.s32 @!p0 $0x80;
	[sflag:s25] =	ssyncadd.s32 $0xFFFFD800  }
0x3d: {  	[spmem:s14] =	stream.linear.scatter @!p0 [tilespmem:s30], [sflag:$0x1], $0x2800, $0x38;
	[tilespmem:$0x16100] =	vst v63  }
0x3e: {  	s30 =	simm.s32 @!p0 $0x1  }
0x3f: {  	_ =	swait.ge @!p0 [sflag:s30], $0x2800  }
0x40: {  	[sflag:s30] =	ssyncset.done @!p0 $0x0  }
0x41: {  	[sflag:s30] =	ssyncadd.s32 @!p0 $0xFFFFD800  }
0x42: {  	[tilespmem:s24], [sflag:$0x1] =	stream.linear.gather [hbm4b:s5+s3], $0x2800, $0x38;
	[tilespmem:$0x16100] =	vst v63  }
0x43: {  	_ =	swait.ge [sflag:s25], $0x2800  }
0x44: {  	[sflag:s25] =	ssyncset.done $0x0  }
0x45: {  	[sflag:s25] =	ssyncadd.s32 $0xFFFFD800  }
0x46: {  	s30 =	sadd.s32 $0x0, s23;
	[bflag:$0x0] =	sbarrier.arrive $0xFFFF  }
0x47: {  	[tilespmem:s3], [sflag:$0x1] =	stream.linear.gather [hbm4b:s30+s3], $0x50, $0x38;
	[tilespmem:$0x16100] =	vst v63  }
0x48: {  	_ =	swait.ge [sflag:s25], $0x50  }
0x49: {  	[sflag:s25] =	ssyncset.done $0x0  }
0x4a: {  	[sflag:s25] =	ssyncadd.s32 $0xFFFFFFB0  }
0x4b: {  	[spmem:s2] =	stream.indirect.scatter.add.f32 [tilespmem:s24], [sflag:$0x1], $0x80, s3, s26, $0xb8;
	[tilespmem:$0x16100] =	vst v63  }
0x4c: {  	_ =	swait.ge [sflag:s25], $0x2800  }
0x4d: {  	s31 =	simm.s32 $0x14;
	s30 =	simm.s32 $0xA;
	[sflag:s25] =	ssyncset.done $0x0  }
.LBB2_2:
0x4e: {  	s1 =	sadd.s32 s30, s23  }
0x4f: {  	[sflag:s25] =	ssyncadd.s32 $0xFFFFD800;
	s30 =	smov.u32 s31;
	s0 =	sadd.s32 $0xA, s31  }
0x50: {  	[tilespmem:s3], [sflag:$0x1] =	stream.linear.gather [hbm4b:s1+s3], $0x50, $0x38;
	[tilespmem:$0x16100] =	vst v63  }
0x51: {  	p1 =	sne.s32 s31, $0x4D8;
	_ =	swait.ge [sflag:s25], $0x50  }
.Ltmp0:
0x52: {  	[sflag:s25] =	ssyncset.done $0x0;
	(pc) =	sbr.rel @p1 .LBB2_2-.Ltmp0, $4  }
0x53: {  	[sflag:s25] =	ssyncadd.s32 $0xFFFFFFB0  }
0x54: {  	[spmem:s2] =	stream.indirect.scatter.add.f32 [tilespmem:s24], [sflag:$0x1], $0x80, s3, s26, $0xb8;
	[tilespmem:$0x16100] =	vst v63  }
0x55: {  	_ =	swait.ge [sflag:s25], $0x2800  }
0x56: {  	s31 =	smov.u32 s0;
	[sflag:s25] =	ssyncset.done $0x0  }
0x57: {  	s0 =	sadd.s32 s30, s23;
	[sflag:s25] =	ssyncadd.s32 $0xFFFFD800  }
0x58: {  	[tilespmem:s3], [sflag:$0x1] =	stream.linear.gather [hbm4b:s0+s3], $0x50, $0x38;
	[tilespmem:$0x16100] =	vst v63  }
0x59: {  	_ =	swait.ge [sflag:s25], $0x50  }
0x5a: {  	[sflag:s25] =	ssyncset.done $0x0  }
0x5b: {  	[sflag:s25] =	ssyncadd.s32 $0xFFFFFFB0  }
0x5c: {  	[spmem:s2] =	stream.indirect.scatter.add.f32 [tilespmem:s24], [sflag:$0x1], $0x80, s3, s26, $0xb8;
	[tilespmem:$0x16100] =	vst v63  }
0x5d: {  	_ =	swait.ge [sflag:s25], $0x2800  }
0x5e: {  	[sflag:s25] =	ssyncset.done $0x0  }
0x5f: {  	[sflag:s25] =	ssyncadd.s32 $0xFFFFD800  }
0x60: {  	[bflag:$0x0] =	sbarrier.arrive $0xFFFF  }
0x61: {  	[tilespmem:s24], [sflag:$0x2] =	stream.linear.gather [spmem:s7], $0x2800, $0x38;
	[tilespmem:$0x16100] =	vst v63  }
0x62: {  	_ =	swait.ge [sflag:s28], $0x2800  }
0x63: {  	[sflag:s28] =	ssyncset.done $0x0  }
0x64: {  	[sflag:s28] =	ssyncadd.s32 $0xFFFFD800  }
0x65: {  	[hbm4b:s15+s3] =	stream.linear.scatter [tilespmem:s24], [sflag:$0x1], $0x2800, $0x38;
	[tilespmem:$0x16100] =	vst v63  }
0x66: {  	_ =	swait.ge [sflag:s25], $0x2800  }
0x67: {  	[sflag:s25] =	ssyncset.done $0x0  }
0x68: {  	[sflag:s25] =	ssyncadd.s32 $0xFFFFD800  }
0x69: {  	[tilespmem:s24], [sflag:$0x2] =	stream.linear.gather [spmem:s8], $0x2800, $0x38;
	[tilespmem:$0x16100] =	vst v63  }
0x6a: {  	_ =	swait.ge [sflag:s28], $0x2800  }
0x6b: {  	[sflag:s28] =	ssyncset.done $0x0  }
0x6c: {  	[sflag:s28] =	ssyncadd.s32 $0xFFFFD800  }
0x6d: {  	[hbm4b:s16+s3] =	stream.linear.scatter [tilespmem:s24], [sflag:$0x1], $0x2800, $0x38;
	[tilespmem:$0x16100] =	vst v63  }
0x6e: {  	_ =	swait.ge [sflag:s25], $0x2800  }
0x6f: {  	[sflag:s25] =	ssyncset.done $0x0  }
0x70: {  	[sflag:s25] =	ssyncadd.s32 $0xFFFFD800  }
0x71: {  	[tilespmem:s24], [sflag:$0x2] =	stream.linear.gather [spmem:s9], $0x2800, $0x38;
	[tilespmem:$0x16100] =	vst v63  }
0x72: {  	_ =	swait.ge [sflag:s28], $0x2800  }
0x73: {  	[sflag:s28] =	ssyncset.done $0x0  }
0x74: {  	[sflag:s28] =	ssyncadd.s32 $0xFFFFD800  }
0x75: {  	[hbm4b:s17+s3] =	stream.linear.scatter [tilespmem:s24], [sflag:$0x1], $0x2800, $0x38;
	[tilespmem:$0x16100] =	vst v63  }
0x76: {  	_ =	swait.ge [sflag:s25], $0x2800  }
0x77: {  	[sflag:s25] =	ssyncset.done $0x0  }
0x78: {  	[sflag:s25] =	ssyncadd.s32 $0xFFFFD800  }
0x79: {  	[tilespmem:s24], [sflag:$0x2] =	stream.linear.gather [spmem:s10], $0x2800, $0x38;
	[tilespmem:$0x16100] =	vst v63  }
0x7a: {  	_ =	swait.ge [sflag:s28], $0x2800  }
0x7b: {  	[sflag:s28] =	ssyncset.done $0x0  }
0x7c: {  	[sflag:s28] =	ssyncadd.s32 $0xFFFFD800  }
0x7d: {  	[hbm4b:s18+s3] =	stream.linear.scatter [tilespmem:s24], [sflag:$0x1], $0x2800, $0x38;
	[tilespmem:$0x16100] =	vst v63  }
0x7e: {  	_ =	swait.ge [sflag:s25], $0x2800  }
0x7f: {  	[sflag:s25] =	ssyncset.done $0x0  }
0x80: {  	[sflag:s25] =	ssyncadd.s32 $0xFFFFD800  }
0x81: {  	[tilespmem:s24], [sflag:$0x2] =	stream.linear.gather [spmem:s11], $0x2800, $0x38;
	[tilespmem:$0x16100] =	vst v63  }
0x82: {  	_ =	swait.ge [sflag:s28], $0x2800  }
0x83: {  	[sflag:s28] =	ssyncset.done $0x0  }
0x84: {  	[sflag:s28] =	ssyncadd.s32 $0xFFFFD800  }
0x85: {  	[hbm4b:s19+s3] =	stream.linear.scatter [tilespmem:s24], [sflag:$0x1], $0x2800, $0x38;
	[tilespmem:$0x16100] =	vst v63  }
0x86: {  	_ =	swait.ge [sflag:s25], $0x2800  }
0x87: {  	[sflag:s25] =	ssyncset.done $0x0  }
0x88: {  	[sflag:s25] =	ssyncadd.s32 $0xFFFFD800  }
0x89: {  	[tilespmem:s24], [sflag:$0x2] =	stream.linear.gather [spmem:s12], $0x2800, $0x38;
	[tilespmem:$0x16100] =	vst v63  }
0x8a: {  	_ =	swait.ge [sflag:s28], $0x2800  }
0x8b: {  	[sflag:s28] =	ssyncset.done $0x0  }
0x8c: {  	[sflag:s28] =	ssyncadd.s32 $0xFFFFD800  }
0x8d: {  	[hbm4b:s20+s3] =	stream.linear.scatter [tilespmem:s24], [sflag:$0x1], $0x2800, $0x38;
	[tilespmem:$0x16100] =	vst v63  }
0x8e: {  	_ =	swait.ge [sflag:s25], $0x2800  }
0x8f: {  	[sflag:s25] =	ssyncset.done $0x0  }
0x90: {  	[sflag:s25] =	ssyncadd.s32 $0xFFFFD800  }
0x91: {  	[tilespmem:s24], [sflag:$0x2] =	stream.linear.gather [spmem:s13], $0x2800, $0x38;
	[tilespmem:$0x16100] =	vst v63  }
0x92: {  	_ =	swait.ge [sflag:s28], $0x2800  }
0x93: {  	[sflag:s28] =	ssyncset.done $0x0  }
0x94: {  	[sflag:s28] =	ssyncadd.s32 $0xFFFFD800  }
0x95: {  	[hbm4b:s21+s3] =	stream.linear.scatter [tilespmem:s24], [sflag:$0x1], $0x2800, $0x38;
	[tilespmem:$0x16100] =	vst v63  }
0x96: {  	_ =	swait.ge [sflag:s25], $0x2800  }
0x97: {  	[sflag:s25] =	ssyncset.done $0x0  }
0x98: {  	s1 =	simm.s32 @!p0 $0x2;
	s0 =	simm.s32 @!p0 $0x80;
	[sflag:s25] =	ssyncadd.s32 $0xFFFFD800  }
0x99: {  	[tilespmem:s0], [sflag:$0x2] =	stream.linear.gather @!p0 [spmem:s14], $0x2800, $0x38;
	[tilespmem:$0x16100] =	vst v63  }
0x9a: {  	_ =	swait.ge @!p0 [sflag:s1], $0x2800  }
0x9b: {  	s29 =	sadd.s32 $0x1, s29;
	[sflag:s1] =	ssyncset.done @!p0 $0x0  }
0x9c: {  	p1 =	sne.s32 s29, s6;
	[sflag:s1] =	ssyncadd.s32 @!p0 $0xFFFFD800;
	s1 =	simm.s32 @!p0 $0x0  }
0x9d: {  	[hbm4b:s22+s1] =	stream.linear.scatter @!p0 [tilespmem:s0], [sflag:$0x1], $0x2800, $0x38;
	[tilespmem:$0x16100] =	vst v63  }
.Ltmp1:
0x9e: {  	_ = 	snop;
	(pc) =	sbr.rel @p1 .LBB2_1-.Ltmp1, $4  }
0x9f: {  	s0 =	simm.s32 @!p0 $0x1  }
0xa0: {  	_ =	swait.ge @!p0 [sflag:s0], $0x2800  }
0xa1: {  	[sflag:s0] =	ssyncset.done @!p0 $0x0  }
0xa2: {  	[sflag:s0] =	ssyncadd.s32 @!p0 $0xFFFFD800  }
0xa3: {  	_ =	sfence.sel $0x180000  }
0xa4: {  	[bflag:$0x0] =	sbarrier.arrive $0xFFFF  }
0xa5: {  	_ =	strace $0x90000047  }
0xa6: {  	s0 =	stileid.u32;
	[bflag:$0x2] =	sbarrier.arrive $0xFFFF  }
0xa7: {  	p0 =	sne.s32 s0, $0x0;
	s0 =	rddreg [dreg:$0x2]  }
0xa8: {  	s0 =	sadd.s32 @!p0 $0x100000, s0  }
0xa9: {  	[sflag:s0] =	ssyncadd.tile.s32 @!p0 $0x1;
	_ =	shalt  }
.Lfunc_end2:
_tile_overlayer_lowered:
.L_overlay_start_2:
0xaa: {  	(tag) =	ssettag $0x2  }
0xab: {  	s0 =	rddreg [dreg:$0x0];
	s2 =	stileid.u32  }
0xac: {  	s1 =	rddreg [dreg:$0x1];
	p0 =	sne.s32 s2, $0x0  }
0xad: {  	s3 =	rddreg [dreg:$0x2];
	[bflag:$0x3] =	sbarrier.arrive $0xFFFF;
	s2 =	simm.s32 @!p0 $0x1C01  }
0xae: {  	[timem:s3], [sflag:s2] =	dma.local @!p0 [hbm:s0], s1  }
0xaf: {  	s0 =	simm.s32 @!p0 $0x1  }
0xb0: {  	_ =	swait.ge @!p0 [sflag:s0], s1  }
0xb1: {  	s1 =	ssub.s32 @!p0 $0x0, s1;
	[sflag:s0] =	ssyncset.done @!p0 $0x0  }
0xb2: {  	[sflag:s0] =	ssyncadd.s32 @!p0 s1  }
0xb3: {  	[bflag:$0x3] =	sbarrier.arrive $0xFFFF  }
0xb4: {  	_ =	shalt  }

</sc_bundles>
